<compile_context>
chip_gen: v7x
topology: tpu7x:2x2x1
jax: 0.10.2.dev20260603
libtpu: 0.0.44.dev20260713+nightly
codegen_flags: <defaults>
</compile_context>

<pallas_src>
import functools

import jax
import jax.numpy as jnp
from jax import lax
from jax.experimental import pallas as pl
from jax.experimental.pallas import tpu as pltpu
from jax.experimental.pallas import tpu_sc as plsc

_dot = functools.partial(jax.lax.dot_general,
                         precision=jax.lax.Precision.HIGHEST,
                         preferred_element_type=jnp.float32)
_dotd = functools.partial(jax.lax.dot_general,
                          precision=jax.lax.Precision.DEFAULT,
                          preferred_element_type=jnp.float32)

_NEG_BIG = -3.0e38
_BIG_I = 1 << 30


def _extract_topk(d_ref, k, iota):
    def body(t, carry):
        dd = d_ref[...]
        m = jnp.min(dd, axis=1, keepdims=True)
        am = jnp.min(jnp.where(dd == m, iota, _BIG_I), axis=1, keepdims=True)
        d_ref[...] = jnp.where(iota == am, jnp.inf, dd)
        return carry
    jax.lax.fori_loop(0, k, body, 0)



def _sa1_kernel(xt_ref, p_ref, w1_ref, b1_ref, w2_ref, b2_ref,
                y1_ref, s1t_ref, idx_ref, d_ref):
    xt = xt_ref[0]
    n = xt.shape[1]
    b = pl.program_id(0)
    c = pl.program_id(1)

    @pl.when(c == 0)
    def _():
        h = jnp.maximum(
            _dotd(xt, w1_ref[...], (((0,), (0,)), ((), ()))) + b1_ref[...], 0.0)
        y1 = _dotd(h, w2_ref[...], (((1,), (0,)), ((), ()))) + b2_ref[...]
        y1_ref[0] = jnp.concatenate(
            [y1, jnp.zeros((n, 64), jnp.float32)], axis=1)

    pcol = p_ref[...]
    io_nq = jax.lax.broadcasted_iota(jnp.int32, (n, 128), 0)
    onehot_t = (io_nq == pcol).astype(jnp.float32)
    s_t = _dot(xt, onehot_t, (((1,), (0,)), ((), ())))
    s1t_ref[0] = s_t

    xsq = jnp.sum(xt * xt, axis=0, keepdims=True)
    ssq = jnp.sum(s_t * s_t, axis=0, keepdims=True)
    qk = _dotd(s_t, xt, (((0,), (0,)), ((), ())))
    d_ref[...] = ssq.T - 2.0 * qk + xsq

    iota = jax.lax.broadcasted_iota(jnp.int32, (128, n), 1)
    col_iota = jax.lax.broadcasted_iota(jnp.int32, (128, 32), 1)

    def body(t, acc):
        dd = d_ref[...]
        m = jnp.min(dd, axis=1, keepdims=True)
        am = jnp.min(jnp.where(dd == m, iota, _BIG_I), axis=1, keepdims=True)
        d_ref[...] = jnp.where(iota == am, jnp.inf, dd)
        return jnp.where(col_iota == t, am, acc)
    gidx = jax.lax.fori_loop(0, 32, body, jnp.zeros((128, 32), jnp.int32))
    idx_ref[0] = gidx + b * n



def _sc_gather_rows(table, idx):
    rows_total = idx.shape[0]
    info = plsc.get_sparse_core_info()
    nw = info.num_cores * info.num_subcores
    b_per_w = rows_total // nw
    chunk = 512
    mesh = plsc.VectorSubcoreMesh(core_axis_name="c", subcore_axis_name="s")

    @functools.partial(
        pl.kernel, mesh=mesh,
        out_type=jax.ShapeDtypeStruct((rows_total, 128), jnp.float32),
        scratch_types=[
            pltpu.VMEM((chunk,), jnp.int32),
            pltpu.VMEM((chunk, 128), jnp.float32),
            pltpu.SemaphoreType.DMA,
        ],
    )
    def gather_k(table_hbm, idx_hbm, out_hbm, idx_v, rows_v, sem):
        wid = lax.axis_index("s") * info.num_cores + lax.axis_index("c")
        base = wid * b_per_w
        for j in range(b_per_w // chunk):
            off = base + j * chunk
            pltpu.sync_copy(idx_hbm.at[pl.ds(off, chunk)], idx_v)
            pltpu.async_copy(table_hbm.at[idx_v], rows_v, sem).wait()
            pltpu.sync_copy(rows_v, out_hbm.at[pl.ds(off, chunk)])

    return gather_k(table, idx)


def _max32_kernel(rows_ref, out_ref):
    rr = rows_ref[...].reshape(128, 32, 128)
    out_ref[0] = jnp.max(rr, axis=1)[:, :64]



def _sa2_fp1_kernel(x1_ref, p_ref, sw1_ref, sb1_ref, sw2_ref, sb2_ref,
                    fw1a_ref, fw1b_ref, fb1_ref, fw2_ref, fb2_ref,
                    f1_ref, d2_ref, dq_ref):
    x1 = x1_ref[0]
    h = jnp.maximum(_dotd(x1, sw1_ref[...], (((1,), (0,)), ((), ()))) + sb1_ref[...], 0.0)
    y2 = _dotd(h, sw2_ref[...], (((1,), (0,)), ((), ()))) + sb2_ref[...]

    pcol = p_ref[...]
    io_nq = jax.lax.broadcasted_iota(jnp.int32, (512, 128), 0)
    onehot_t = (io_nq == pcol).astype(jnp.float32)
    s2 = _dot(onehot_t, x1, (((0,), (0,)), ((), ())))

    x1sq = jnp.sum(x1 * x1, axis=1, keepdims=True)
    s2sq = jnp.sum(s2 * s2, axis=1, keepdims=True)

    qk = _dotd(s2, x1, (((1,), (1,)), ((), ())))
    d2_ref[...] = s2sq - 2.0 * qk + x1sq.reshape(1, 512)
    iota2 = jax.lax.broadcasted_iota(jnp.int32, (128, 512), 1)

    def sbody(t, feats):
        dd = d2_ref[...]
        m = jnp.min(dd, axis=1, keepdims=True)
        am = jnp.min(jnp.where(dd == m, iota2, _BIG_I), axis=1, keepdims=True)
        onehot = (iota2 == am)
        d2_ref[...] = jnp.where(onehot, jnp.inf, dd)
        ysel = _dot(onehot.astype(jnp.float32), y2, (((1,), (0,)), ((), ())))
        return jnp.maximum(feats, ysel)
    x2 = jax.lax.fori_loop(
        0, 32, sbody, jnp.full((128, 128), _NEG_BIG, jnp.float32))

    qk2 = _dotd(x1, s2, (((1,), (1,)), ((), ())))
    dq_ref[...] = x1sq - 2.0 * qk2 + s2sq.reshape(1, 128)
    iotaq = jax.lax.broadcasted_iota(jnp.int32, (512, 128), 1)
    _extract_topk(dq_ref, 3, iotaq)
    mask = jnp.isinf(dq_ref[...]).astype(jnp.float32)
    interp = _dot(mask, x2, (((1,), (0,)), ((), ()))) / 3.0

    pre = jnp.maximum(
        _dotd(x1, fw1a_ref[...], (((1,), (0,)), ((), ())))
        + _dotd(interp, fw1b_ref[...], (((1,), (0,)), ((), ())))
        + fb1_ref[...], 0.0)
    f1_ref[0] = _dotd(pre, fw2_ref[...], (((1,), (0,)), ((), ()))) + fb2_ref[...]



def _fp2_kernel(xt_ref, s1t_ref, f1_ref, w1x_ref, w1i_ref, b1_ref,
                w2_ref, b2_ref, fcw_ref, fcb_ref, out_ref, d_ref):
    xtc = xt_ref[0]
    s1t = s1t_ref[0]
    xsq = jnp.sum(xtc * xtc, axis=0, keepdims=True)
    ssq = jnp.sum(s1t * s1t, axis=0, keepdims=True)
    qk = _dotd(xtc, s1t, (((0,), (0,)), ((), ())))
    d_ref[...] = xsq.reshape(2048, 1) - 2.0 * qk + ssq
    iota = jax.lax.broadcasted_iota(jnp.int32, (2048, 512), 1)
    _extract_topk(d_ref, 3, iota)
    mask = jnp.isinf(d_ref[...]).astype(jnp.float32)
    interp = _dot(mask, f1_ref[0], (((1,), (0,)), ((), ()))) / 3.0

    pre = jnp.maximum(
        _dotd(xtc, w1x_ref[...], (((0,), (0,)), ((), ())))
        + _dotd(interp, w1i_ref[...], (((1,), (0,)), ((), ())))
        + b1_ref[...], 0.0)
    h2 = _dotd(pre, w2_ref[...], (((1,), (0,)), ((), ()))) + b2_ref[...]
    logits = _dotd(h2, fcw_ref[...], (((1,), (0,)), ((), ()))) + fcb_ref[...]
    sh = logits - jnp.max(logits, axis=1, keepdims=True)
    out_ref[0] = sh - jnp.log(jnp.sum(jnp.exp(sh), axis=1, keepdims=True))


def kernel(x, perm1, perm2,
           sa1_W1, sa1_b1, sa1_W2, sa1_b2,
           sa2_W1, sa2_b1, sa2_W2, sa2_b2,
           fp1_W1, fp1_b1, fp1_W2, fp1_b2,
           fp2_W1, fp2_b1, fp2_W2, fp2_b2,
           fc_W, fc_b):
    B, N, _ = x.shape
    xt = jnp.transpose(x, (0, 2, 1))
    p1 = perm1.astype(jnp.int32).reshape(1, 512)
    p2 = perm2.astype(jnp.int32).reshape(1, 128)
    row = lambda v: v.reshape(1, -1)

    y1, s1t, idx = pl.pallas_call(
        _sa1_kernel,
        grid=(B, 4),
        in_specs=[
            pl.BlockSpec((1, 3, N), lambda b, c: (b, 0, 0)),
            pl.BlockSpec((1, 128), lambda b, c: (0, c)),
            pl.BlockSpec((3, 64), lambda b, c: (0, 0)),
            pl.BlockSpec((1, 64), lambda b, c: (0, 0)),
            pl.BlockSpec((64, 64), lambda b, c: (0, 0)),
            pl.BlockSpec((1, 64), lambda b, c: (0, 0)),
        ],
        out_specs=[
            pl.BlockSpec((1, N, 128), lambda b, c: (b, 0, 0)),
            pl.BlockSpec((1, 3, 128), lambda b, c: (b, 0, c)),
            pl.BlockSpec((1, 128, 32), lambda b, c: (b, c, 0)),
        ],
        out_shape=[
            jax.ShapeDtypeStruct((B, N, 128), jnp.float32),
            jax.ShapeDtypeStruct((B, 3, 512), jnp.float32),
            jax.ShapeDtypeStruct((B, 512, 32), jnp.int32),
        ],
        scratch_shapes=[
            pltpu.VMEM((128, N), jnp.float32),
        ],
    )(xt, p1, sa1_W1, row(sa1_b1), sa1_W2, row(sa1_b2))

    rows = _sc_gather_rows(y1.reshape(B * N, 128), idx.reshape(B * 512 * 32))

    x1 = pl.pallas_call(
        _max32_kernel,
        grid=(B * 4,),
        in_specs=[pl.BlockSpec((4096, 128), lambda i: (i, 0))],
        out_specs=pl.BlockSpec((1, 128, 64), lambda i: (i // 4, i % 4, 0)),
        out_shape=jax.ShapeDtypeStruct((B, 512, 64), jnp.float32),
    )(rows)

    f1 = pl.pallas_call(
        _sa2_fp1_kernel,
        grid=(B,),
        in_specs=[
            pl.BlockSpec((1, 512, 64), lambda b: (b, 0, 0)),
            pl.BlockSpec((1, 128), lambda b: (0, 0)),
            pl.BlockSpec((64, 128), lambda b: (0, 0)),
            pl.BlockSpec((1, 128), lambda b: (0, 0)),
            pl.BlockSpec((128, 128), lambda b: (0, 0)),
            pl.BlockSpec((1, 128), lambda b: (0, 0)),
            pl.BlockSpec((64, 64), lambda b: (0, 0)),
            pl.BlockSpec((128, 64), lambda b: (0, 0)),
            pl.BlockSpec((1, 64), lambda b: (0, 0)),
            pl.BlockSpec((64, 64), lambda b: (0, 0)),
            pl.BlockSpec((1, 64), lambda b: (0, 0)),
        ],
        out_specs=pl.BlockSpec((1, 512, 64), lambda b: (b, 0, 0)),
        out_shape=jax.ShapeDtypeStruct((B, 512, 64), jnp.float32),
        scratch_shapes=[
            pltpu.VMEM((128, 512), jnp.float32),
            pltpu.VMEM((512, 128), jnp.float32),
        ],
    )(x1, p2, sa2_W1, row(sa2_b1), sa2_W2, row(sa2_b2),
      fp1_W1[:64], fp1_W1[64:], row(fp1_b1), fp1_W2, row(fp1_b2))

    out = pl.pallas_call(
        _fp2_kernel,
        grid=(B, 8),
        in_specs=[
            pl.BlockSpec((1, 3, 2048), lambda b, c: (b, 0, c)),
            pl.BlockSpec((1, 3, 512), lambda b, c: (b, 0, 0)),
            pl.BlockSpec((1, 512, 64), lambda b, c: (b, 0, 0)),
            pl.BlockSpec((3, 32), lambda b, c: (0, 0)),
            pl.BlockSpec((64, 32), lambda b, c: (0, 0)),
            pl.BlockSpec((1, 32), lambda b, c: (0, 0)),
            pl.BlockSpec((32, 32), lambda b, c: (0, 0)),
            pl.BlockSpec((1, 32), lambda b, c: (0, 0)),
            pl.BlockSpec((32, 2), lambda b, c: (0, 0)),
            pl.BlockSpec((1, 2), lambda b, c: (0, 0)),
        ],
        out_specs=pl.BlockSpec((1, 2048, 2), lambda b, c: (b, c, 0)),
        out_shape=jax.ShapeDtypeStruct((B, N, 2), jnp.float32),
        scratch_shapes=[pltpu.VMEM((2048, 512), jnp.float32)],
    )(xt, s1t, f1, fp2_W1[:3], fp2_W1[3:], row(fp2_b1),
      fp2_W2, row(fp2_b2), fc_W, row(fc_b))

    return out

# --- scband reference (transcript-rebuilt; emitter-appended) ---
"""Pipeline reference for scband-spine-segmentation-net-60833916780806 (READ-ONLY COPY).

The authoritative reference and input builder live on the scoring server;
editing this copy changes nothing except your own understanding.
"""

import jax, jax.numpy as jnp
import numpy as np


def _knn(keys, queries, k):
    # keys: [S, C], queries: [Q, C] -> (dists [Q,k], idx [Q,k]) of nearest keys per query
    d2 = (jnp.sum(queries ** 2, axis=1, keepdims=True)
          - 2.0 * (queries @ keys.T)
          + jnp.sum(keys ** 2, axis=1)[None, :])
    neg, idx = jax.lax.top_k(-d2, k)
    return -neg, idx


def setup_inputs(seed: int = 0):
    key = jax.random.key(seed)
    ks = jax.random.split(key, 16)
    B, N = 4, 16384
    inp = {}
    inp['x'] = jax.random.normal(ks[0], (B, N, 3), dtype=jnp.float32)
    inp['perm1'] = jax.random.randint(ks[1], (512,), 0, N)
    inp['perm2'] = jax.random.randint(ks[2], (128,), 0, 512)

    def w(k, fan_in, shape):
        return (jax.random.normal(k, shape, dtype=jnp.float32) / np.sqrt(fan_in)).astype(jnp.float32)

    inp['sa1_W1'] = w(ks[3], 3, (3, 64));     inp['sa1_b1'] = jnp.zeros((64,), jnp.float32)
    inp['sa1_W2'] = w(ks[4], 64, (64, 64));   inp['sa1_b2'] = jnp.zeros((64,), jnp.float32)
    inp['sa2_W1'] = w(ks[5], 64, (64, 128));  inp['sa2_b1'] = jnp.zeros((128,), jnp.float32)
    inp['sa2_W2'] = w(ks[6], 128, (128, 128)); inp['sa2_b2'] = jnp.zeros((128,), jnp.float32)
    inp['fp1_W1'] = w(ks[7], 192, (192, 64)); inp['fp1_b1'] = jnp.zeros((64,), jnp.float32)
    inp['fp1_W2'] = w(ks[8], 64, (64, 64));   inp['fp1_b2'] = jnp.zeros((64,), jnp.float32)
    inp['fp2_W1'] = w(ks[9], 67, (67, 32));   inp['fp2_b1'] = jnp.zeros((32,), jnp.float32)
    inp['fp2_W2'] = w(ks[10], 32, (32, 32));  inp['fp2_b2'] = jnp.zeros((32,), jnp.float32)
    inp['fc_W'] = w(ks[11], 32, (32, 2));     inp['fc_b'] = jnp.zeros((2,), jnp.float32)
    return inp


def _set_abstraction(x, perm, K, W1, b1, W2, b2):
    # x: [B, N, C]; perm: [S] int indices
    sampled = x[:, perm, :]  # [B, S, C]

    def per_b(xb, sb):
        _, nidx = _knn(xb, sb, K)   # [S, K] neighbors of sampled points within full set
        return xb[nidx]             # [S, K, C]

    groups = jax.vmap(per_b)(x, sampled)  # [B, S, K, C]
    h = jnp.maximum(groups @ W1 + b1, 0.0) @ W2 + b2  # pointwise MLP (1x1 conv)
    feats = jnp.max(h, axis=2)  # max over group dim -> [B, S, out]
    return feats, sampled


def _feature_prop(hi, lo_coords, lo_feats, W1, b1, W2, b2):
    # hi: [B, Q, Ch]; lo_coords: [B, S, Ch]; lo_feats: [B, S, Cl]
    def per_b(hb, lc, lf):
        _, idx = _knn(lc, hb, 3)            # 3 nearest low-res points per query
        return jnp.sum(lf[idx], axis=1) / 3.0  # [Q, Cl]

    interp = jax.vmap(per_b)(hi, lo_coords, lo_feats)
    h = jnp.concatenate([hi, interp], axis=-1)
    return jnp.maximum(h @ W1 + b1, 0.0) @ W2 + b2


def reference(x, perm1, perm2,
              sa1_W1, sa1_b1, sa1_W2, sa1_b2,
              sa2_W1, sa2_b1, sa2_W2, sa2_b2,
              fp1_W1, fp1_b1, fp1_W2, fp1_b2,
              fp2_W1, fp2_b1, fp2_W2, fp2_b2,
              fc_W, fc_b):
    x1, s1 = _set_abstraction(x, perm1, 32, sa1_W1, sa1_b1, sa1_W2, sa1_b2)   # [B,512,64], [B,512,3]
    x2, s2 = _set_abstraction(x1, perm2, 32, sa2_W1, sa2_b1, sa2_W2, sa2_b2)  # [B,128,128], [B,128,64]
    f1 = _feature_prop(x1, s2, x2, fp1_W1, fp1_b1, fp1_W2, fp1_b2)            # [B,512,64]
    f2 = _feature_prop(x, s1, f1, fp2_W1, fp2_b1, fp2_W2, fp2_b2)             # [B,16384,32]
    logits = f2 @ fc_W + fc_b                                                  # [B,16384,2]
    return jax.nn.log_softmax(logits, axis=-1)

if __name__ == "__main__":
    import jax
    _d = setup_inputs()
    print(jax.jit(kernel)(*tuple(_d.values())))

</pallas_src>

<mosaic_0001>
#map = affine_map<(d0, d1) -> (0, 0)>
#map1 = affine_map<(d0, d1) -> (0)>
module attributes {stable_mosaic.version = 14 : i64} {
  func.func @gather_k(%arg0: i32, %arg1: i32, %arg2: memref<65536x128xf32, #tpu.memory_space<hbm>>, %arg3: memref<65536xi32, #tpu.memory_space<hbm>>, %arg4: memref<65536x128xf32, #tpu.memory_space<hbm>>, %arg5: memref<512xi32, #tpu.memory_space<vmem>>, %arg6: memref<512x128xf32, #tpu.memory_space<vmem>>, %arg7: memref<!tpu.dma_semaphore, #tpu.memory_space<semaphore_mem>>) attributes {dimension_semantics = [#tpu.dimension_semantics<core_parallel>, #tpu.dimension_semantics<subcore_parallel>], iteration_bounds = array<i64: 2, 16>, scalar_prefetch = 0 : i64, scratch_operands = 3 : i64, tpu.core_type = #tpu.core_type<sc_vector_subcore>, window_params = [{transform_indices = #map}, {transform_indices = #map1}, {transform_indices = #map}]} {
    %mul3A = arith.constant 2 : i32
    %mul3A_0 = arith.muli %arg1, %mul3A : i32
    %add3A = arith.addi %mul3A_0, %arg0 : i32
    %mul3A_1 = arith.constant 2048 : i32
    %mul3A_2 = arith.muli %add3A, %mul3A_1 : i32
    %add3A_3 = arith.constant 0 : i32
    %add3A_4 = arith.addi %mul3A_2, %add3A_3 : i32
    "tpu.region"() ({
      %run_scoped3A = tpu.sem_alloc : memref<!tpu.dma_semaphore, #tpu.memory_space<semaphore_mem>>
      %dma_start3A_33 = tpu.memref_slice %arg3[%add3A_4] : memref<65536xi32, #tpu.memory_space<hbm>> -> memref<512xi32, #tpu.memory_space<hbm>>
      %dma_start3A_34 = tpu.memref_slice %arg3[%add3A_4] : memref<65536xi32, #tpu.memory_space<hbm>> -> memref<512xi32, #tpu.memory_space<hbm>>
      tpu.enqueue_dma source(%dma_start3A_34 : memref<512xi32, #tpu.memory_space<hbm>>) target(%arg5 : memref<512xi32, #tpu.memory_space<vmem>>) target_semaphore(%run_scoped3A : memref<!tpu.dma_semaphore, #tpu.memory_space<semaphore_mem>>)
      %dma_wait3A_35 = tpu.memref_slice %arg3[%add3A_4] : memref<65536xi32, #tpu.memory_space<hbm>> -> memref<512xi32, #tpu.memory_space<hbm>>
      %dma_wait3A_36 = tpu.memref_slice %arg3[%add3A_4] : memref<65536xi32, #tpu.memory_space<hbm>> -> memref<512xi32, #tpu.memory_space<hbm>>
      tpu.wait_dma2 semaphore(%run_scoped3A : memref<!tpu.dma_semaphore, #tpu.memory_space<semaphore_mem>>) src(%dma_wait3A_36 : memref<512xi32, #tpu.memory_space<hbm>>) dst(%arg5 : memref<512xi32, #tpu.memory_space<vmem>>)
      tpu.yield
    }) : () -> ()
    %dma_start3A = arith.constant 0 : i32
    %dma_start3A_5 = arith.constant 0 : i32
    %dma_start3A_6 = tpu.memref_slice %arg2[%dma_start3A, %dma_start3A_5] : memref<65536x128xf32, #tpu.memory_space<hbm>> -> memref<65536x128xf32, #tpu.memory_space<hbm>>
    tpu.enqueue_indirect_dma source(%dma_start3A_6 : memref<65536x128xf32, #tpu.memory_space<hbm>>) target(%arg6 : memref<512x128xf32, #tpu.memory_space<vmem>>) offsets(%arg5 : memref<512xi32, #tpu.memory_space<vmem>>) semaphore(%arg7 : memref<!tpu.dma_semaphore, #tpu.memory_space<semaphore_mem>>)
    %dma_wait3A = arith.constant 0 : i32
    %dma_wait3A_7 = arith.constant 0 : i32
    %dma_wait3A_8 = tpu.memref_slice %arg2[%dma_wait3A, %dma_wait3A_7] : memref<65536x128xf32, #tpu.memory_space<hbm>> -> memref<65536x128xf32, #tpu.memory_space<hbm>>
    tpu.wait_indirect_dma semaphore(%arg7 : memref<!tpu.dma_semaphore, #tpu.memory_space<semaphore_mem>>) src(%dma_wait3A_8 : memref<65536x128xf32, #tpu.memory_space<hbm>>) dst(%arg6 : memref<512x128xf32, #tpu.memory_space<vmem>>)
    "tpu.region"() ({
      %run_scoped3A = tpu.sem_alloc : memref<!tpu.dma_semaphore, #tpu.memory_space<semaphore_mem>>
      %dma_start3A_33 = arith.constant 0 : i32
      %dma_start3A_34 = tpu.memref_slice %arg4[%add3A_4, %dma_start3A_33] : memref<65536x128xf32, #tpu.memory_space<hbm>> -> memref<512x128xf32, #tpu.memory_space<hbm>>
      %dma_start3A_35 = arith.constant 0 : i32
      %dma_start3A_36 = tpu.memref_slice %arg4[%add3A_4, %dma_start3A_35] : memref<65536x128xf32, #tpu.memory_space<hbm>> -> memref<512x128xf32, #tpu.memory_space<hbm>>
      tpu.enqueue_dma source(%arg6 : memref<512x128xf32, #tpu.memory_space<vmem>>) target(%dma_start3A_36 : memref<512x128xf32, #tpu.memory_space<hbm>>) target_semaphore(%run_scoped3A : memref<!tpu.dma_semaphore, #tpu.memory_space<semaphore_mem>>)
      %dma_wait3A_37 = arith.constant 0 : i32
      %dma_wait3A_38 = tpu.memref_slice %arg4[%add3A_4, %dma_wait3A_37] : memref<65536x128xf32, #tpu.memory_space<hbm>> -> memref<512x128xf32, #tpu.memory_space<hbm>>
      %dma_wait3A_39 = arith.constant 0 : i32
      %dma_wait3A_40 = tpu.memref_slice %arg4[%add3A_4, %dma_wait3A_39] : memref<65536x128xf32, #tpu.memory_space<hbm>> -> memref<512x128xf32, #tpu.memory_space<hbm>>
      tpu.wait_dma2 semaphore(%run_scoped3A : memref<!tpu.dma_semaphore, #tpu.memory_space<semaphore_mem>>) src(%arg6 : memref<512x128xf32, #tpu.memory_space<vmem>>) dst(%dma_wait3A_40 : memref<512x128xf32, #tpu.memory_space<hbm>>)
      tpu.yield
    }) : () -> ()
    %add3A_9 = arith.constant 512 : i32
    %add3A_10 = arith.addi %mul3A_2, %add3A_9 : i32
    "tpu.region"() ({
      %run_scoped3A = tpu.sem_alloc : memref<!tpu.dma_semaphore, #tpu.memory_space<semaphore_mem>>
      %dma_start3A_33 = tpu.memref_slice %arg3[%add3A_10] : memref<65536xi32, #tpu.memory_space<hbm>> -> memref<512xi32, #tpu.memory_space<hbm>>
      %dma_start3A_34 = tpu.memref_slice %arg3[%add3A_10] : memref<65536xi32, #tpu.memory_space<hbm>> -> memref<512xi32, #tpu.memory_space<hbm>>
      tpu.enqueue_dma source(%dma_start3A_34 : memref<512xi32, #tpu.memory_space<hbm>>) target(%arg5 : memref<512xi32, #tpu.memory_space<vmem>>) target_semaphore(%run_scoped3A : memref<!tpu.dma_semaphore, #tpu.memory_space<semaphore_mem>>)
      %dma_wait3A_35 = tpu.memref_slice %arg3[%add3A_10] : memref<65536xi32, #tpu.memory_space<hbm>> -> memref<512xi32, #tpu.memory_space<hbm>>
      %dma_wait3A_36 = tpu.memref_slice %arg3[%add3A_10] : memref<65536xi32, #tpu.memory_space<hbm>> -> memref<512xi32, #tpu.memory_space<hbm>>
      tpu.wait_dma2 semaphore(%run_scoped3A : memref<!tpu.dma_semaphore, #tpu.memory_space<semaphore_mem>>) src(%dma_wait3A_36 : memref<512xi32, #tpu.memory_space<hbm>>) dst(%arg5 : memref<512xi32, #tpu.memory_space<vmem>>)
      tpu.yield
    }) : () -> ()
    %dma_start3A_11 = arith.constant 0 : i32
    %dma_start3A_12 = arith.constant 0 : i32
    %dma_start3A_13 = tpu.memref_slice %arg2[%dma_start3A_11, %dma_start3A_12] : memref<65536x128xf32, #tpu.memory_space<hbm>> -> memref<65536x128xf32, #tpu.memory_space<hbm>>
    tpu.enqueue_indirect_dma source(%dma_start3A_13 : memref<65536x128xf32, #tpu.memory_space<hbm>>) target(%arg6 : memref<512x128xf32, #tpu.memory_space<vmem>>) offsets(%arg5 : memref<512xi32, #tpu.memory_space<vmem>>) semaphore(%arg7 : memref<!tpu.dma_semaphore, #tpu.memory_space<semaphore_mem>>)
    %dma_wait3A_14 = arith.constant 0 : i32
    %dma_wait3A_15 = arith.constant 0 : i32
    %dma_wait3A_16 = tpu.memref_slice %arg2[%dma_wait3A_14, %dma_wait3A_15] : memref<65536x128xf32, #tpu.memory_space<hbm>> -> memref<65536x128xf32, #tpu.memory_space<hbm>>
    tpu.wait_indirect_dma semaphore(%arg7 : memref<!tpu.dma_semaphore, #tpu.memory_space<semaphore_mem>>) src(%dma_wait3A_16 : memref<65536x128xf32, #tpu.memory_space<hbm>>) dst(%arg6 : memref<512x128xf32, #tpu.memory_space<vmem>>)
    "tpu.region"() ({
      %run_scoped3A = tpu.sem_alloc : memref<!tpu.dma_semaphore, #tpu.memory_space<semaphore_mem>>
      %dma_start3A_33 = arith.constant 0 : i32
      %dma_start3A_34 = tpu.memref_slice %arg4[%add3A_10, %dma_start3A_33] : memref<65536x128xf32, #tpu.memory_space<hbm>> -> memref<512x128xf32, #tpu.memory_space<hbm>>
      %dma_start3A_35 = arith.constant 0 : i32
      %dma_start3A_36 = tpu.memref_slice %arg4[%add3A_10, %dma_start3A_35] : memref<65536x128xf32, #tpu.memory_space<hbm>> -> memref<512x128xf32, #tpu.memory_space<hbm>>
      tpu.enqueue_dma source(%arg6 : memref<512x128xf32, #tpu.memory_space<vmem>>) target(%dma_start3A_36 : memref<512x128xf32, #tpu.memory_space<hbm>>) target_semaphore(%run_scoped3A : memref<!tpu.dma_semaphore, #tpu.memory_space<semaphore_mem>>)
      %dma_wait3A_37 = arith.constant 0 : i32
      %dma_wait3A_38 = tpu.memref_slice %arg4[%add3A_10, %dma_wait3A_37] : memref<65536x128xf32, #tpu.memory_space<hbm>> -> memref<512x128xf32, #tpu.memory_space<hbm>>
      %dma_wait3A_39 = arith.constant 0 : i32
      %dma_wait3A_40 = tpu.memref_slice %arg4[%add3A_10, %dma_wait3A_39] : memref<65536x128xf32, #tpu.memory_space<hbm>> -> memref<512x128xf32, #tpu.memory_space<hbm>>
      tpu.wait_dma2 semaphore(%run_scoped3A : memref<!tpu.dma_semaphore, #tpu.memory_space<semaphore_mem>>) src(%arg6 : memref<512x128xf32, #tpu.memory_space<vmem>>) dst(%dma_wait3A_40 : memref<512x128xf32, #tpu.memory_space<hbm>>)
      tpu.yield
    }) : () -> ()
    %add3A_17 = arith.constant 1024 : i32
    %add3A_18 = arith.addi %mul3A_2, %add3A_17 : i32
    "tpu.region"() ({
      %run_scoped3A = tpu.sem_alloc : memref<!tpu.dma_semaphore, #tpu.memory_space<semaphore_mem>>
      %dma_start3A_33 = tpu.memref_slice %arg3[%add3A_18] : memref<65536xi32, #tpu.memory_space<hbm>> -> memref<512xi32, #tpu.memory_space<hbm>>
      %dma_start3A_34 = tpu.memref_slice %arg3[%add3A_18] : memref<65536xi32, #tpu.memory_space<hbm>> -> memref<512xi32, #tpu.memory_space<hbm>>
      tpu.enqueue_dma source(%dma_start3A_34 : memref<512xi32, #tpu.memory_space<hbm>>) target(%arg5 : memref<512xi32, #tpu.memory_space<vmem>>) target_semaphore(%run_scoped3A : memref<!tpu.dma_semaphore, #tpu.memory_space<semaphore_mem>>)
      %dma_wait3A_35 = tpu.memref_slice %arg3[%add3A_18] : memref<65536xi32, #tpu.memory_space<hbm>> -> memref<512xi32, #tpu.memory_space<hbm>>
      %dma_wait3A_36 = tpu.memref_slice %arg3[%add3A_18] : memref<65536xi32, #tpu.memory_space<hbm>> -> memref<512xi32, #tpu.memory_space<hbm>>
      tpu.wait_dma2 semaphore(%run_scoped3A : memref<!tpu.dma_semaphore, #tpu.memory_space<semaphore_mem>>) src(%dma_wait3A_36 : memref<512xi32, #tpu.memory_space<hbm>>) dst(%arg5 : memref<512xi32, #tpu.memory_space<vmem>>)
      tpu.yield
    }) : () -> ()
    %dma_start3A_19 = arith.constant 0 : i32
    %dma_start3A_20 = arith.constant 0 : i32
    %dma_start3A_21 = tpu.memref_slice %arg2[%dma_start3A_19, %dma_start3A_20] : memref<65536x128xf32, #tpu.memory_space<hbm>> -> memref<65536x128xf32, #tpu.memory_space<hbm>>
    tpu.enqueue_indirect_dma source(%dma_start3A_21 : memref<65536x128xf32, #tpu.memory_space<hbm>>) target(%arg6 : memref<512x128xf32, #tpu.memory_space<vmem>>) offsets(%arg5 : memref<512xi32, #tpu.memory_space<vmem>>) semaphore(%arg7 : memref<!tpu.dma_semaphore, #tpu.memory_space<semaphore_mem>>)
    %dma_wait3A_22 = arith.constant 0 : i32
    %dma_wait3A_23 = arith.constant 0 : i32
    %dma_wait3A_24 = tpu.memref_slice %arg2[%dma_wait3A_22, %dma_wait3A_23] : memref<65536x128xf32, #tpu.memory_space<hbm>> -> memref<65536x128xf32, #tpu.memory_space<hbm>>
    tpu.wait_indirect_dma semaphore(%arg7 : memref<!tpu.dma_semaphore, #tpu.memory_space<semaphore_mem>>) src(%dma_wait3A_24 : memref<65536x128xf32, #tpu.memory_space<hbm>>) dst(%arg6 : memref<512x128xf32, #tpu.memory_space<vmem>>)
    "tpu.region"() ({
      %run_scoped3A = tpu.sem_alloc : memref<!tpu.dma_semaphore, #tpu.memory_space<semaphore_mem>>
      %dma_start3A_33 = arith.constant 0 : i32
      %dma_start3A_34 = tpu.memref_slice %arg4[%add3A_18, %dma_start3A_33] : memref<65536x128xf32, #tpu.memory_space<hbm>> -> memref<512x128xf32, #tpu.memory_space<hbm>>
      %dma_start3A_35 = arith.constant 0 : i32
      %dma_start3A_36 = tpu.memref_slice %arg4[%add3A_18, %dma_start3A_35] : memref<65536x128xf32, #tpu.memory_space<hbm>> -> memref<512x128xf32, #tpu.memory_space<hbm>>
      tpu.enqueue_dma source(%arg6 : memref<512x128xf32, #tpu.memory_space<vmem>>) target(%dma_start3A_36 : memref<512x128xf32, #tpu.memory_space<hbm>>) target_semaphore(%run_scoped3A : memref<!tpu.dma_semaphore, #tpu.memory_space<semaphore_mem>>)
      %dma_wait3A_37 = arith.constant 0 : i32
      %dma_wait3A_38 = tpu.memref_slice %arg4[%add3A_18, %dma_wait3A_37] : memref<65536x128xf32, #tpu.memory_space<hbm>> -> memref<512x128xf32, #tpu.memory_space<hbm>>
      %dma_wait3A_39 = arith.constant 0 : i32
      %dma_wait3A_40 = tpu.memref_slice %arg4[%add3A_18, %dma_wait3A_39] : memref<65536x128xf32, #tpu.memory_space<hbm>> -> memref<512x128xf32, #tpu.memory_space<hbm>>
      tpu.wait_dma2 semaphore(%run_scoped3A : memref<!tpu.dma_semaphore, #tpu.memory_space<semaphore_mem>>) src(%arg6 : memref<512x128xf32, #tpu.memory_space<vmem>>) dst(%dma_wait3A_40 : memref<512x128xf32, #tpu.memory_space<hbm>>)
      tpu.yield
    }) : () -> ()
    %add3A_25 = arith.constant 1536 : i32
    %add3A_26 = arith.addi %mul3A_2, %add3A_25 : i32
    "tpu.region"() ({
      %run_scoped3A = tpu.sem_alloc : memref<!tpu.dma_semaphore, #tpu.memory_space<semaphore_mem>>
      %dma_start3A_33 = tpu.memref_slice %arg3[%add3A_26] : memref<65536xi32, #tpu.memory_space<hbm>> -> memref<512xi32, #tpu.memory_space<hbm>>
      %dma_start3A_34 = tpu.memref_slice %arg3[%add3A_26] : memref<65536xi32, #tpu.memory_space<hbm>> -> memref<512xi32, #tpu.memory_space<hbm>>
      tpu.enqueue_dma source(%dma_start3A_34 : memref<512xi32, #tpu.memory_space<hbm>>) target(%arg5 : memref<512xi32, #tpu.memory_space<vmem>>) target_semaphore(%run_scoped3A : memref<!tpu.dma_semaphore, #tpu.memory_space<semaphore_mem>>)
      %dma_wait3A_35 = tpu.memref_slice %arg3[%add3A_26] : memref<65536xi32, #tpu.memory_space<hbm>> -> memref<512xi32, #tpu.memory_space<hbm>>
      %dma_wait3A_36 = tpu.memref_slice %arg3[%add3A_26] : memref<65536xi32, #tpu.memory_space<hbm>> -> memref<512xi32, #tpu.memory_space<hbm>>
      tpu.wait_dma2 semaphore(%run_scoped3A : memref<!tpu.dma_semaphore, #tpu.memory_space<semaphore_mem>>) src(%dma_wait3A_36 : memref<512xi32, #tpu.memory_space<hbm>>) dst(%arg5 : memref<512xi32, #tpu.memory_space<vmem>>)
      tpu.yield
    }) : () -> ()
    %dma_start3A_27 = arith.constant 0 : i32
    %dma_start3A_28 = arith.constant 0 : i32
    %dma_start3A_29 = tpu.memref_slice %arg2[%dma_start3A_27, %dma_start3A_28] : memref<65536x128xf32, #tpu.memory_space<hbm>> -> memref<65536x128xf32, #tpu.memory_space<hbm>>
    tpu.enqueue_indirect_dma source(%dma_start3A_29 : memref<65536x128xf32, #tpu.memory_space<hbm>>) target(%arg6 : memref<512x128xf32, #tpu.memory_space<vmem>>) offsets(%arg5 : memref<512xi32, #tpu.memory_space<vmem>>) semaphore(%arg7 : memref<!tpu.dma_semaphore, #tpu.memory_space<semaphore_mem>>)
    %dma_wait3A_30 = arith.constant 0 : i32
    %dma_wait3A_31 = arith.constant 0 : i32
    %dma_wait3A_32 = tpu.memref_slice %arg2[%dma_wait3A_30, %dma_wait3A_31] : memref<65536x128xf32, #tpu.memory_space<hbm>> -> memref<65536x128xf32, #tpu.memory_space<hbm>>
    tpu.wait_indirect_dma semaphore(%arg7 : memref<!tpu.dma_semaphore, #tpu.memory_space<semaphore_mem>>) src(%dma_wait3A_32 : memref<65536x128xf32, #tpu.memory_space<hbm>>) dst(%arg6 : memref<512x128xf32, #tpu.memory_space<vmem>>)
    "tpu.region"() ({
      %run_scoped3A = tpu.sem_alloc : memref<!tpu.dma_semaphore, #tpu.memory_space<semaphore_mem>>
      %dma_start3A_33 = arith.constant 0 : i32
      %dma_start3A_34 = tpu.memref_slice %arg4[%add3A_26, %dma_start3A_33] : memref<65536x128xf32, #tpu.memory_space<hbm>> -> memref<512x128xf32, #tpu.memory_space<hbm>>
      %dma_start3A_35 = arith.constant 0 : i32
      %dma_start3A_36 = tpu.memref_slice %arg4[%add3A_26, %dma_start3A_35] : memref<65536x128xf32, #tpu.memory_space<hbm>> -> memref<512x128xf32, #tpu.memory_space<hbm>>
      tpu.enqueue_dma source(%arg6 : memref<512x128xf32, #tpu.memory_space<vmem>>) target(%dma_start3A_36 : memref<512x128xf32, #tpu.memory_space<hbm>>) target_semaphore(%run_scoped3A : memref<!tpu.dma_semaphore, #tpu.memory_space<semaphore_mem>>)
      %dma_wait3A_37 = arith.constant 0 : i32
      %dma_wait3A_38 = tpu.memref_slice %arg4[%add3A_26, %dma_wait3A_37] : memref<65536x128xf32, #tpu.memory_space<hbm>> -> memref<512x128xf32, #tpu.memory_space<hbm>>
      %dma_wait3A_39 = arith.constant 0 : i32
      %dma_wait3A_40 = tpu.memref_slice %arg4[%add3A_26, %dma_wait3A_39] : memref<65536x128xf32, #tpu.memory_space<hbm>> -> memref<512x128xf32, #tpu.memory_space<hbm>>
      tpu.wait_dma2 semaphore(%run_scoped3A : memref<!tpu.dma_semaphore, #tpu.memory_space<semaphore_mem>>) src(%arg6 : memref<512x128xf32, #tpu.memory_space<vmem>>) dst(%dma_wait3A_40 : memref<512x128xf32, #tpu.memory_space<hbm>>)
      tpu.yield
    }) : () -> ()
    return
  }
}

module attributes {stable_mosaic.version = 14 : i64} {
  func.func @_sa1_kernel(%arg0: i32, %arg1: i32, %arg2: memref<1x3x16384xf32, #tpu.memory_space<vmem>>, %arg3: memref<1x128xi32, #tpu.memory_space<vmem>>, %arg4: memref<3x64xf32, #tpu.memory_space<vmem>>, %arg5: memref<1x64xf32, #tpu.memory_space<vmem>>, %arg6: memref<64x64xf32, #tpu.memory_space<vmem>>, %arg7: memref<1x64xf32, #tpu.memory_space<vmem>>, %arg8: memref<1x16384x128xf32, #tpu.memory_space<vmem>>, %arg9: memref<1x3x128xf32, #tpu.memory_space<vmem>>, %arg10: memref<1x128x32xi32, #tpu.memory_space<vmem>>, %arg11: memref<128x16384xf32, #tpu.memory_space<vmem>>) attributes {dimension_semantics = [#tpu.dimension_semantics<arbitrary>, #tpu.dimension_semantics<arbitrary>], iteration_bounds = array<i64: 4, 4>, scalar_prefetch = 0 : i64, scratch_operands = 1 : i64, tpu.core_type = #tpu.core_type<tc>, window_params = [{transform_indices = @transform_0, window_bounds = array<i64: 1, 3, 16384>}, {transform_indices = @transform_1, window_bounds = array<i64: 1, 128>}, {pipeline_mode = #tpu.pipeline_mode<synchronous>, transform_indices = @transform_2, window_bounds = array<i64: 3, 64>}, {pipeline_mode = #tpu.pipeline_mode<synchronous>, transform_indices = @transform_3, window_bounds = array<i64: 1, 64>}, {pipeline_mode = #tpu.pipeline_mode<synchronous>, transform_indices = @transform_4, window_bounds = array<i64: 64, 64>}, {pipeline_mode = #tpu.pipeline_mode<synchronous>, transform_indices = @transform_5, window_bounds = array<i64: 1, 64>}, {transform_indices = @transform_6, window_bounds = array<i64: 1, 16384, 128>}, {transform_indices = @transform_7, window_bounds = array<i64: 1, 3, 128>}, {transform_indices = @transform_8, window_bounds = array<i64: 1, 128, 32>}]} {
    %get3A = arith.constant 0 : index
    %get3A_0 = arith.constant 0 : index
    %get3A_1 = arith.constant 0 : index
    %get3A_2 = vector.load %arg2[%get3A, %get3A_0, %get3A_1] : memref<1x3x16384xf32, #tpu.memory_space<vmem>>, vector<1x3x16384xf32>
    %get3A_3 = vector.shape_cast %get3A_2 : vector<1x3x16384xf32> to vector<3x16384xf32>
    %eq3A = arith.constant 0 : i32
    %eq3A_4 = arith.cmpi eq, %arg1, %eq3A : i32
    %convert_element_type3A = arith.extui %eq3A_4 : i1 to i32
    %cond3A = arith.constant 0 : i32
    %cond3A_5 = arith.cmpi ne, %convert_element_type3A, %cond3A : i32
    scf.if %cond3A_5 {
      %get3A_53 = arith.constant 0 : index
      %get3A_54 = arith.constant 0 : index
      %get3A_55 = vector.load %arg4[%get3A_53, %get3A_54] : memref<3x64xf32, #tpu.memory_space<vmem>>, vector<3x64xf32>
      %dot_general3A_56 = arith.constant dense<0.000000e+00> : vector<16384x64xf32>
      %dot_general3A_57 = tpu.matmul %get3A_3, %get3A_55, %dot_general3A_56 {dimension_numbers = #tpu.dot_dimension_numbers<[0], [0], [1], [1], [0, 1, 1, 1], [], []>, transpose_lhs_hint = false} : vector<3x16384xf32>, vector<3x64xf32>, vector<16384x64xf32> -> vector<16384x64xf32>
      %get3A_58 = arith.constant 0 : index
      %get3A_59 = arith.constant 0 : index
      %get3A_60 = vector.load %arg5[%get3A_58, %get3A_59] : memref<1x64xf32, #tpu.memory_space<vmem>>, vector<1x64xf32>
      %add3A_61 = vector.broadcast %get3A_60 : vector<1x64xf32> to vector<16384x64xf32>
      %add3A_62 = arith.addf %dot_general3A_57, %add3A_61 : vector<16384x64xf32>
      %max3A = arith.constant 0.000000e+00 : f32
      %max3A_63 = vector.broadcast %max3A : f32 to vector<16384x64xf32>
      %max3A_64 = arith.maximumf %add3A_62, %max3A_63 : vector<16384x64xf32>
      %get3A_65 = arith.constant 0 : index
      %get3A_66 = arith.constant 0 : index
      %get3A_67 = vector.load %arg6[%get3A_65, %get3A_66] : memref<64x64xf32, #tpu.memory_space<vmem>>, vector<64x64xf32>
      %dot_general3A_68 = arith.constant dense<0.000000e+00> : vector<16384x64xf32>
      %dot_general3A_69 = tpu.matmul %max3A_64, %get3A_67, %dot_general3A_68 {dimension_numbers = #tpu.dot_dimension_numbers<[1], [0], [0], [1], [0, 0, 1, 1], [], []>, transpose_lhs_hint = false} : vector<16384x64xf32>, vector<64x64xf32>, vector<16384x64xf32> -> vector<16384x64xf32>
      %get3A_70 = arith.constant 0 : index
      %get3A_71 = arith.constant 0 : index
      %get3A_72 = vector.load %arg7[%get3A_70, %get3A_71] : memref<1x64xf32, #tpu.memory_space<vmem>>, vector<1x64xf32>
      %add3A_73 = vector.broadcast %get3A_72 : vector<1x64xf32> to vector<16384x64xf32>
      %add3A_74 = arith.addf %dot_general3A_69, %add3A_73 : vector<16384x64xf32>
      %broadcast_in_dim3A_75 = arith.constant 0.000000e+00 : f32
      %broadcast_in_dim3A_76 = vector.broadcast %broadcast_in_dim3A_75 : f32 to vector<16384x64xf32>
      %concatenate3A = tpu.concatenate %add3A_74, %broadcast_in_dim3A_76 in 1 : vector<16384x64xf32>, vector<16384x64xf32> -> vector<16384x128xf32>
      %swap3A_77 = arith.constant 0 : index
      %swap3A_78 = arith.constant 0 : index
      %swap3A_79 = arith.constant 0 : index
      %swap3A_80 = vector.load %arg8[%swap3A_77, %swap3A_78, %swap3A_79] : memref<1x16384x128xf32, #tpu.memory_space<vmem>>, vector<1x16384x128xf32>
      %swap3A_81 = vector.shape_cast %swap3A_80 : vector<1x16384x128xf32> to vector<16384x128xf32>
      %swap3A_82 = vector.shape_cast %concatenate3A : vector<16384x128xf32> to vector<1x16384x128xf32>
      tpu.vector_store %arg8[%swap3A_77, %swap3A_78, %swap3A_79], %swap3A_82 {strides = array<i32>} : memref<1x16384x128xf32, #tpu.memory_space<vmem>>, vector<1x16384x128xf32>,
    } else {
    }
    %get3A_6 = arith.constant 0 : index
    %get3A_7 = arith.constant 0 : index
    %get3A_8 = vector.load %arg3[%get3A_6, %get3A_7] : memref<1x128xi32, #tpu.memory_space<vmem>>, vector<1x128xi32>
    %iota3A = tpu.iota {dimensions = array<i32: 0>} : vector<16384x128xi32>
    %eq3A_9 = vector.broadcast %get3A_8 : vector<1x128xi32> to vector<16384x128xi32>
    %eq3A_10 = arith.cmpi eq, %iota3A, %eq3A_9 : vector<16384x128xi32>
    %convert_element_type3A_11 = arith.extui %eq3A_10 : vector<16384x128xi1> to vector<16384x128xi32>
    %convert_element_type3A_12 = arith.sitofp %convert_element_type3A_11 : vector<16384x128xi32> to vector<16384x128xf32>
    %dot_general3A = arith.constant dense<0.000000e+00> : vector<3x128xf32>
    %dot_general3A_13 = tpu.matmul %get3A_3, %convert_element_type3A_12, %dot_general3A {dimension_numbers = #tpu.dot_dimension_numbers<[1], [0], [0], [1], [0, 0, 1, 1], [], []>, precision = #tpu.contract_precision<fp32>, transpose_lhs_hint = false} : vector<3x16384xf32>, vector<16384x128xf32>, vector<3x128xf32> -> vector<3x128xf32>
    %swap3A = arith.constant 0 : index
    %swap3A_14 = arith.constant 0 : index
    %swap3A_15 = arith.constant 0 : index
    %swap3A_16 = vector.load %arg9[%swap3A, %swap3A_14, %swap3A_15] : memref<1x3x128xf32, #tpu.memory_space<vmem>>, vector<1x3x128xf32>
    %swap3A_17 = vector.shape_cast %swap3A_16 : vector<1x3x128xf32> to vector<3x128xf32>
    %swap3A_18 = vector.shape_cast %dot_general3A_13 : vector<3x128xf32> to vector<1x3x128xf32>
    tpu.vector_store %arg9[%swap3A, %swap3A_14, %swap3A_15], %swap3A_18 {strides = array<i32>} : memref<1x3x128xf32, #tpu.memory_space<vmem>>, vector<1x3x128xf32>,
    %mul3A = arith.mulf %get3A_3, %get3A_3 : vector<3x16384xf32>
    %reduce_sum3A = arith.constant dense<0.000000e+00> : vector<16384xf32>
    %reduce_sum3A_19 = vector.multi_reduction <add>, %mul3A, %reduce_sum3A [0] : vector<3x16384xf32> to vector<16384xf32>
    %broadcast_in_dim3A = vector.shape_cast %reduce_sum3A_19 : vector<16384xf32> to vector<1x16384xf32>
    %mul3A_20 = arith.mulf %dot_general3A_13, %dot_general3A_13 : vector<3x128xf32>
    %reduce_sum3A_21 = arith.constant dense<0.000000e+00> : vector<128xf32>
    %reduce_sum3A_22 = vector.multi_reduction <add>, %mul3A_20, %reduce_sum3A_21 [0] : vector<3x128xf32> to vector<128xf32>
    %broadcast_in_dim3A_23 = vector.shape_cast %reduce_sum3A_22 : vector<128xf32> to vector<1x128xf32>
    %dot_general3A_24 = arith.constant dense<0.000000e+00> : vector<128x16384xf32>
    %dot_general3A_25 = tpu.matmul %dot_general3A_13, %get3A_3, %dot_general3A_24 {dimension_numbers = #tpu.dot_dimension_numbers<[0], [0], [1], [1], [0, 1, 1, 1], [], []>, transpose_lhs_hint = false} : vector<3x128xf32>, vector<3x16384xf32>, vector<128x16384xf32> -> vector<128x16384xf32>
    %transpose3A = tpu.transpose %broadcast_in_dim3A_23, [1, 0] : vector<1x128xf32> -> vector<128x1xf32>
    %mul3A_26 = arith.constant 2.000000e+00 : f32
    %mul3A_27 = vector.broadcast %mul3A_26 : f32 to vector<128x16384xf32>
    %mul3A_28 = arith.mulf %mul3A_27, %dot_general3A_25 : vector<128x16384xf32>
    %sub3A = vector.broadcast %transpose3A : vector<128x1xf32> to vector<128x16384xf32>
    %sub3A_29 = arith.subf %sub3A, %mul3A_28 : vector<128x16384xf32>
    %add3A = vector.broadcast %broadcast_in_dim3A : vector<1x16384xf32> to vector<128x16384xf32>
    %add3A_30 = arith.addf %sub3A_29, %add3A : vector<128x16384xf32>
    %swap3A_31 = arith.constant 0 : index
    %swap3A_32 = arith.constant 0 : index
    %swap3A_33 = vector.load %arg11[%swap3A_31, %swap3A_32] : memref<128x16384xf32, #tpu.memory_space<vmem>>, vector<128x16384xf32>
    tpu.vector_store %arg11[%swap3A_31, %swap3A_32], %add3A_30 {strides = array<i32>} : memref<128x16384xf32, #tpu.memory_space<vmem>>, vector<128x16384xf32>,
    %iota3A_34 = tpu.iota {dimensions = array<i32: 1>} : vector<128x16384xi32>
    %iota3A_35 = tpu.iota {dimensions = array<i32: 1>} : vector<128x32xi32>
    %broadcast_in_dim3A_36 = arith.constant 0 : i32
    %broadcast_in_dim3A_37 = vector.broadcast %broadcast_in_dim3A_36 : i32 to vector<128x32xi32>
    %scan3A = arith.constant 0 : i32
    %scan3A_38 = arith.constant 32 : i32
    %scan3A_39 = arith.addi %scan3A, %scan3A_38 : i32
    %scan3A_40 = arith.constant 1 : i32
    %scan3A_41 = scf.for %scan3A_53 = %scan3A to %scan3A_39 step %scan3A_40 iter_args(%scan3A_54 = %broadcast_in_dim3A_37) -> (vector<128x32xi32>)  : i32 {
      %get3A_55 = arith.constant 0 : index
      %get3A_56 = arith.constant 0 : index
      %get3A_57 = vector.load %arg11[%get3A_55, %get3A_56] : memref<128x16384xf32, #tpu.memory_space<vmem>>, vector<128x16384xf32>
      %reduce_min3A = arith.constant dense<0x7F800000> : vector<128xf32>
      %reduce_min3A_58 = vector.multi_reduction <minimumf>, %get3A_57, %reduce_min3A [1] : vector<128x16384xf32> to vector<128xf32>
      %broadcast_in_dim3A_59 = vector.shape_cast %reduce_min3A_58 : vector<128xf32> to vector<128x1xf32>
      %eq3A_60 = vector.broadcast %broadcast_in_dim3A_59 : vector<128x1xf32> to vector<128x16384xf32>
      %eq3A_61 = arith.cmpf oeq, %get3A_57, %eq3A_60 : vector<128x16384xf32>
      %jit3A = arith.constant 1073741824 : i32
      %broadcast_in_dim3A_62 = vector.broadcast %jit3A : i32 to vector<128x16384xi32>
      %select_n3A = arith.select %eq3A_61, %iota3A_34, %broadcast_in_dim3A_62 : vector<128x16384xi1>, vector<128x16384xi32>
      %reduce_min3A_63 = arith.constant dense<2147483647> : vector<128xi32>
      %reduce_min3A_64 = vector.multi_reduction <minsi>, %select_n3A, %reduce_min3A_63 [1] : vector<128x16384xi32> to vector<128xi32>
      %broadcast_in_dim3A_65 = vector.shape_cast %reduce_min3A_64 : vector<128xi32> to vector<128x1xi32>
      %eq3A_66 = vector.broadcast %broadcast_in_dim3A_65 : vector<128x1xi32> to vector<128x16384xi32>
      %eq3A_67 = arith.cmpi eq, %iota3A_34, %eq3A_66 : vector<128x16384xi32>
      %jit3A_68 = arith.constant 0x7F800000 : f32
      %broadcast_in_dim3A_69 = vector.broadcast %jit3A_68 : f32 to vector<128x16384xf32>
      %select_n3A_70 = arith.select %eq3A_67, %broadcast_in_dim3A_69, %get3A_57 : vector<128x16384xi1>, vector<128x16384xf32>
      %swap3A_71 = arith.constant 0 : index
      %swap3A_72 = arith.constant 0 : index
      %swap3A_73 = vector.load %arg11[%swap3A_71, %swap3A_72] : memref<128x16384xf32, #tpu.memory_space<vmem>>, vector<128x16384xf32>
      tpu.vector_store %arg11[%swap3A_71, %swap3A_72], %select_n3A_70 {strides = array<i32>} : memref<128x16384xf32, #tpu.memory_space<vmem>>, vector<128x16384xf32>,
      %eq3A_74 = vector.broadcast %scan3A_53 : i32 to vector<128x32xi32>
      %eq3A_75 = arith.cmpi eq, %iota3A_35, %eq3A_74 : vector<128x32xi32>
      %broadcast_in_dim3A_76 = vector.shape_cast %broadcast_in_dim3A_65 : vector<128x1xi32> to vector<128x1xi32>
      %broadcast_in_dim3A_77 = vector.broadcast %broadcast_in_dim3A_76 : vector<128x1xi32> to vector<128x32xi32>
      %select_n3A_78 = arith.select %eq3A_75, %broadcast_in_dim3A_77, %scan3A_54 : vector<128x32xi1>, vector<128x32xi32>
      scf.yield %select_n3A_78 : vector<128x32xi32>
    }
    %scan3A_42 = arith.constant 32 : i32
    %mul3A_43 = arith.constant 16384 : i32
    %mul3A_44 = arith.muli %arg0, %mul3A_43 : i32
    %add3A_45 = vector.broadcast %mul3A_44 : i32 to vector<128x32xi32>
    %add3A_46 = arith.addi %scan3A_41, %add3A_45 : vector<128x32xi32>
    %swap3A_47 = arith.constant 0 : index
    %swap3A_48 = arith.constant 0 : index
    %swap3A_49 = arith.constant 0 : index
    %swap3A_50 = vector.load %arg10[%swap3A_47, %swap3A_48, %swap3A_49] : memref<1x128x32xi32, #tpu.memory_space<vmem>>, vector<1x128x32xi32>
    %swap3A_51 = vector.shape_cast %swap3A_50 : vector<1x128x32xi32> to vector<128x32xi32>
    %swap3A_52 = vector.shape_cast %add3A_46 : vector<128x32xi32> to vector<1x128x32xi32>
    tpu.vector_store %arg10[%swap3A_47, %swap3A_48, %swap3A_49], %swap3A_52 {strides = array<i32>} : memref<1x128x32xi32, #tpu.memory_space<vmem>>, vector<1x128x32xi32>,
    return
  }
  func.func @transform_0(%arg0: i32, %arg1: i32) -> (i32, i32, i32) {
    %c0_i32 = arith.constant 0 : i32
    %c0_i32_0 = arith.constant 0 : i32
    %c0_i32_1 = arith.constant 0 : i32
    return %arg0, %c0_i32, %c0_i32_0 : i32, i32, i32
  }
  func.func @transform_1(%arg0: i32, %arg1: i32) -> (i32, i32) {
    %c0_i32 = arith.constant 0 : i32
    %c0_i32_0 = arith.constant 0 : i32
    return %c0_i32, %arg1 : i32, i32
  }
  func.func @transform_2(%arg0: i32, %arg1: i32) -> (i32, i32) {
    %c0_i32 = arith.constant 0 : i32
    %c0_i32_0 = arith.constant 0 : i32
    %c0_i32_1 = arith.constant 0 : i32
    return %c0_i32, %c0_i32_0 : i32, i32
  }
  func.func @transform_3(%arg0: i32, %arg1: i32) -> (i32, i32) {
    %c0_i32 = arith.constant 0 : i32
    %c0_i32_0 = arith.constant 0 : i32
    %c0_i32_1 = arith.constant 0 : i32
    return %c0_i32, %c0_i32_0 : i32, i32
  }
  func.func @transform_4(%arg0: i32, %arg1: i32) -> (i32, i32) {
    %c0_i32 = arith.constant 0 : i32
    %c0_i32_0 = arith.constant 0 : i32
    %c0_i32_1 = arith.constant 0 : i32
    return %c0_i32, %c0_i32_0 : i32, i32
  }
  func.func @transform_5(%arg0: i32, %arg1: i32) -> (i32, i32) {
    %c0_i32 = arith.constant 0 : i32
    %c0_i32_0 = arith.constant 0 : i32
    %c0_i32_1 = arith.constant 0 : i32
    return %c0_i32, %c0_i32_0 : i32, i32
  }
  func.func @transform_6(%arg0: i32, %arg1: i32) -> (i32, i32, i32) {
    %c0_i32 = arith.constant 0 : i32
    %c0_i32_0 = arith.constant 0 : i32
    %c0_i32_1 = arith.constant 0 : i32
    return %arg0, %c0_i32, %c0_i32_0 : i32, i32, i32
  }
  func.func @transform_7(%arg0: i32, %arg1: i32) -> (i32, i32, i32) {
    %c0_i32 = arith.constant 0 : i32
    %c0_i32_0 = arith.constant 0 : i32
    return %arg0, %c0_i32, %arg1 : i32, i32, i32
  }
  func.func @transform_8(%arg0: i32, %arg1: i32) -> (i32, i32, i32) {
    %c0_i32 = arith.constant 0 : i32
    %c0_i32_0 = arith.constant 0 : i32
    return %arg0, %arg1, %c0_i32 : i32, i32, i32
  }
}

module attributes {stable_mosaic.version = 14 : i64} {
  func.func @_max32_kernel(%arg0: i32, %arg1: memref<4096x128xf32, #tpu.memory_space<vmem>>, %arg2: memref<1x128x64xf32, #tpu.memory_space<vmem>>) attributes {dimension_semantics = [#tpu.dimension_semantics<arbitrary>], iteration_bounds = array<i64: 16>, scalar_prefetch = 0 : i64, scratch_operands = 0 : i64, tpu.core_type = #tpu.core_type<tc>, window_params = [{transform_indices = @transform_0, window_bounds = array<i64: 4096, 128>}, {transform_indices = @transform_1, window_bounds = array<i64: 1, 128, 64>}]} {
    %get3A = arith.constant 0 : index
    %get3A_0 = arith.constant 0 : index
    %get3A_1 = vector.load %arg1[%get3A, %get3A_0] : memref<4096x128xf32, #tpu.memory_space<vmem>>, vector<4096x128xf32>
    %reshape3A = vector.shape_cast %get3A_1 : vector<4096x128xf32> to vector<128x32x128xf32>
    %reduce_max3A = arith.constant dense<0xFF800000> : vector<128x128xf32>
    %reduce_max3A_2 = vector.multi_reduction <maximumf>, %reshape3A, %reduce_max3A [1] : vector<128x32x128xf32> to vector<128x128xf32>
    %slice3A = vector.extract_strided_slice %reduce_max3A_2 {offsets = [0, 0], sizes = [128, 64], strides = [1, 1]} : vector<128x128xf32> to vector<128x64xf32>
    %swap3A = arith.constant 0 : index
    %swap3A_3 = arith.constant 0 : index
    %swap3A_4 = arith.constant 0 : index
    %swap3A_5 = vector.load %arg2[%swap3A, %swap3A_3, %swap3A_4] : memref<1x128x64xf32, #tpu.memory_space<vmem>>, vector<1x128x64xf32>
    %swap3A_6 = vector.shape_cast %swap3A_5 : vector<1x128x64xf32> to vector<128x64xf32>
    %swap3A_7 = vector.shape_cast %slice3A : vector<128x64xf32> to vector<1x128x64xf32>
    tpu.vector_store %arg2[%swap3A, %swap3A_3, %swap3A_4], %swap3A_7 {strides = array<i32>} : memref<1x128x64xf32, #tpu.memory_space<vmem>>, vector<1x128x64xf32>,
    return
  }
  func.func @transform_0(%arg0: i32) -> (i32, i32) {
    %c0_i32 = arith.constant 0 : i32
    %c0_i32_0 = arith.constant 0 : i32
    return %arg0, %c0_i32 : i32, i32
  }
  func.func @transform_1(%arg0: i32) -> (i32, i32, i32) {
    %jit3A = arith.constant 4 : i32
    %div3A = arith.divsi %arg0, %jit3A : i32
    %sign3A = arith.constant 0 : i32
    %sign3A_0 = arith.cmpi sgt, %arg0, %sign3A : i32
    %sign3A_1 = arith.extui %sign3A_0 : i1 to i32
    %sign3A_2 = arith.constant 0 : i32
    %sign3A_3 = arith.cmpi slt, %arg0, %sign3A_2 : i32
    %sign3A_4 = arith.extui %sign3A_3 : i1 to i32
    %sign3A_5 = arith.subi %sign3A_1, %sign3A_4 : i32
    %sign3A_6 = arith.constant 0 : i32
    %sign3A_7 = arith.cmpi sgt, %jit3A, %sign3A_6 : i32
    %sign3A_8 = arith.extui %sign3A_7 : i1 to i32
    %sign3A_9 = arith.constant 0 : i32
    %sign3A_10 = arith.cmpi slt, %jit3A, %sign3A_9 : i32
    %sign3A_11 = arith.extui %sign3A_10 : i1 to i32
    %sign3A_12 = arith.subi %sign3A_8, %sign3A_11 : i32
    %ne3A = arith.cmpi ne, %sign3A_5, %sign3A_12 : i32
    %rem3A = arith.remsi %arg0, %jit3A : i32
    %ne3A_13 = arith.constant 0 : i32
    %ne3A_14 = arith.cmpi ne, %rem3A, %ne3A_13 : i32
    %and3A = arith.andi %ne3A, %ne3A_14 : i1
    %sub3A = arith.constant 1 : i32
    %sub3A_15 = arith.subi %div3A, %sub3A : i32
    %select_n3A = arith.select %and3A, %sub3A_15, %div3A : i32
    %jit3A_16 = arith.constant 4 : i32
    %eq3A = arith.constant 0 : i32
    %eq3A_17 = arith.cmpi eq, %jit3A_16, %eq3A : i32
    %jit3A_18 = arith.constant 1 : i32
    %select_n3A_19 = arith.select %eq3A_17, %jit3A_18, %jit3A_16 : i32
    %rem3A_20 = arith.remsi %arg0, %select_n3A_19 : i32
    %ne3A_21 = arith.constant 0 : i32
    %ne3A_22 = arith.cmpi ne, %rem3A_20, %ne3A_21 : i32
    %lt3A = arith.constant 0 : i32
    %lt3A_23 = arith.cmpi slt, %rem3A_20, %lt3A : i32
    %lt3A_24 = arith.constant 0 : i32
    %lt3A_25 = arith.cmpi slt, %select_n3A_19, %lt3A_24 : i32
    %ne3A_26 = arith.xori %lt3A_23, %lt3A_25 : i1
    %and3A_27 = arith.andi %ne3A_26, %ne3A_22 : i1
    %add3A = arith.addi %rem3A_20, %select_n3A_19 : i32
    %select_n3A_28 = arith.select %and3A_27, %add3A, %rem3A_20 : i32
    %c0_i32 = arith.constant 0 : i32
    %c0_i32_29 = arith.constant 0 : i32
    return %select_n3A, %select_n3A_28, %c0_i32 : i32, i32, i32
  }
}

module attributes {stable_mosaic.version = 14 : i64} {
  func.func @_sa2_fp1_kernel(%arg0: i32, %arg1: memref<1x512x64xf32, #tpu.memory_space<vmem>>, %arg2: memref<1x128xi32, #tpu.memory_space<vmem>>, %arg3: memref<64x128xf32, #tpu.memory_space<vmem>>, %arg4: memref<1x128xf32, #tpu.memory_space<vmem>>, %arg5: memref<128x128xf32, #tpu.memory_space<vmem>>, %arg6: memref<1x128xf32, #tpu.memory_space<vmem>>, %arg7: memref<64x64xf32, #tpu.memory_space<vmem>>, %arg8: memref<128x64xf32, #tpu.memory_space<vmem>>, %arg9: memref<1x64xf32, #tpu.memory_space<vmem>>, %arg10: memref<64x64xf32, #tpu.memory_space<vmem>>, %arg11: memref<1x64xf32, #tpu.memory_space<vmem>>, %arg12: memref<1x512x64xf32, #tpu.memory_space<vmem>>, %arg13: memref<128x512xf32, #tpu.memory_space<vmem>>, %arg14: memref<512x128xf32, #tpu.memory_space<vmem>>) attributes {dimension_semantics = [#tpu.dimension_semantics<arbitrary>], iteration_bounds = array<i64: 4>, scalar_prefetch = 0 : i64, scratch_operands = 2 : i64, tpu.core_type = #tpu.core_type<tc>, window_params = [{transform_indices = @transform_0, window_bounds = array<i64: 1, 512, 64>}, {pipeline_mode = #tpu.pipeline_mode<synchronous>, transform_indices = @transform_1, window_bounds = array<i64: 1, 128>}, {pipeline_mode = #tpu.pipeline_mode<synchronous>, transform_indices = @transform_2, window_bounds = array<i64: 64, 128>}, {pipeline_mode = #tpu.pipeline_mode<synchronous>, transform_indices = @transform_3, window_bounds = array<i64: 1, 128>}, {pipeline_mode = #tpu.pipeline_mode<synchronous>, transform_indices = @transform_4, window_bounds = array<i64: 128, 128>}, {pipeline_mode = #tpu.pipeline_mode<synchronous>, transform_indices = @transform_5, window_bounds = array<i64: 1, 128>}, {pipeline_mode = #tpu.pipeline_mode<synchronous>, transform_indices = @transform_6, window_bounds = array<i64: 64, 64>}, {pipeline_mode = #tpu.pipeline_mode<synchronous>, transform_indices = @transform_7, window_bounds = array<i64: 128, 64>}, {pipeline_mode = #tpu.pipeline_mode<synchronous>, transform_indices = @transform_8, window_bounds = array<i64: 1, 64>}, {pipeline_mode = #tpu.pipeline_mode<synchronous>, transform_indices = @transform_9, window_bounds = array<i64: 64, 64>}, {pipeline_mode = #tpu.pipeline_mode<synchronous>, transform_indices = @transform_10, window_bounds = array<i64: 1, 64>}, {transform_indices = @transform_11, window_bounds = array<i64: 1, 512, 64>}]} {
    %get3A = arith.constant 0 : index
    %get3A_0 = arith.constant 0 : index
    %get3A_1 = arith.constant 0 : index
    %get3A_2 = vector.load %arg1[%get3A, %get3A_0, %get3A_1] : memref<1x512x64xf32, #tpu.memory_space<vmem>>, vector<1x512x64xf32>
    %get3A_3 = vector.shape_cast %get3A_2 : vector<1x512x64xf32> to vector<512x64xf32>
    %get3A_4 = arith.constant 0 : index
    %get3A_5 = arith.constant 0 : index
    %get3A_6 = vector.load %arg3[%get3A_4, %get3A_5] : memref<64x128xf32, #tpu.memory_space<vmem>>, vector<64x128xf32>
    %dot_general3A = arith.constant dense<0.000000e+00> : vector<512x128xf32>
    %dot_general3A_7 = tpu.matmul %get3A_3, %get3A_6, %dot_general3A {dimension_numbers = #tpu.dot_dimension_numbers<[1], [0], [0], [1], [0, 0, 1, 1], [], []>, transpose_lhs_hint = false} : vector<512x64xf32>, vector<64x128xf32>, vector<512x128xf32> -> vector<512x128xf32>
    %get3A_8 = arith.constant 0 : index
    %get3A_9 = arith.constant 0 : index
    %get3A_10 = vector.load %arg4[%get3A_8, %get3A_9] : memref<1x128xf32, #tpu.memory_space<vmem>>, vector<1x128xf32>
    %add3A = vector.broadcast %get3A_10 : vector<1x128xf32> to vector<512x128xf32>
    %add3A_11 = arith.addf %dot_general3A_7, %add3A : vector<512x128xf32>
    %max3A = arith.constant 0.000000e+00 : f32
    %max3A_12 = vector.broadcast %max3A : f32 to vector<512x128xf32>
    %max3A_13 = arith.maximumf %add3A_11, %max3A_12 : vector<512x128xf32>
    %get3A_14 = arith.constant 0 : index
    %get3A_15 = arith.constant 0 : index
    %get3A_16 = vector.load %arg5[%get3A_14, %get3A_15] : memref<128x128xf32, #tpu.memory_space<vmem>>, vector<128x128xf32>
    %dot_general3A_17 = arith.constant dense<0.000000e+00> : vector<512x128xf32>
    %dot_general3A_18 = tpu.matmul %max3A_13, %get3A_16, %dot_general3A_17 {dimension_numbers = #tpu.dot_dimension_numbers<[1], [0], [0], [1], [0, 0, 1, 1], [], []>, transpose_lhs_hint = false} : vector<512x128xf32>, vector<128x128xf32>, vector<512x128xf32> -> vector<512x128xf32>
    %get3A_19 = arith.constant 0 : index
    %get3A_20 = arith.constant 0 : index
    %get3A_21 = vector.load %arg6[%get3A_19, %get3A_20] : memref<1x128xf32, #tpu.memory_space<vmem>>, vector<1x128xf32>
    %add3A_22 = vector.broadcast %get3A_21 : vector<1x128xf32> to vector<512x128xf32>
    %add3A_23 = arith.addf %dot_general3A_18, %add3A_22 : vector<512x128xf32>
    %get3A_24 = arith.constant 0 : index
    %get3A_25 = arith.constant 0 : index
    %get3A_26 = vector.load %arg2[%get3A_24, %get3A_25] : memref<1x128xi32, #tpu.memory_space<vmem>>, vector<1x128xi32>
    %iota3A = tpu.iota {dimensions = array<i32: 0>} : vector<512x128xi32>
    %eq3A = vector.broadcast %get3A_26 : vector<1x128xi32> to vector<512x128xi32>
    %eq3A_27 = arith.cmpi eq, %iota3A, %eq3A : vector<512x128xi32>
    %convert_element_type3A = arith.extui %eq3A_27 : vector<512x128xi1> to vector<512x128xi32>
    %convert_element_type3A_28 = arith.sitofp %convert_element_type3A : vector<512x128xi32> to vector<512x128xf32>
    %dot_general3A_29 = arith.constant dense<0.000000e+00> : vector<128x64xf32>
    %dot_general3A_30 = tpu.matmul %convert_element_type3A_28, %get3A_3, %dot_general3A_29 {dimension_numbers = #tpu.dot_dimension_numbers<[0], [0], [1], [1], [0, 1, 1, 1], [], []>, precision = #tpu.contract_precision<fp32>, transpose_lhs_hint = false} : vector<512x128xf32>, vector<512x64xf32>, vector<128x64xf32> -> vector<128x64xf32>
    %mul3A = arith.mulf %get3A_3, %get3A_3 : vector<512x64xf32>
    %reduce_sum3A = arith.constant dense<0.000000e+00> : vector<512xf32>
    %reduce_sum3A_31 = vector.multi_reduction <add>, %mul3A, %reduce_sum3A [1] : vector<512x64xf32> to vector<512xf32>
    %broadcast_in_dim3A = vector.shape_cast %reduce_sum3A_31 : vector<512xf32> to vector<512x1xf32>
    %mul3A_32 = arith.mulf %dot_general3A_30, %dot_general3A_30 : vector<128x64xf32>
    %reduce_sum3A_33 = arith.constant dense<0.000000e+00> : vector<128xf32>
    %reduce_sum3A_34 = vector.multi_reduction <add>, %mul3A_32, %reduce_sum3A_33 [1] : vector<128x64xf32> to vector<128xf32>
    %broadcast_in_dim3A_35 = vector.shape_cast %reduce_sum3A_34 : vector<128xf32> to vector<128x1xf32>
    %dot_general3A_36 = arith.constant dense<0.000000e+00> : vector<128x512xf32>
    %dot_general3A_37 = tpu.matmul %dot_general3A_30, %get3A_3, %dot_general3A_36 {dimension_numbers = #tpu.dot_dimension_numbers<[1], [1], [0], [0], [0, 0, 1, 0], [], []>, transpose_lhs_hint = false} : vector<128x64xf32>, vector<512x64xf32>, vector<128x512xf32> -> vector<128x512xf32>
    %mul3A_38 = arith.constant 2.000000e+00 : f32
    %mul3A_39 = vector.broadcast %mul3A_38 : f32 to vector<128x512xf32>
    %mul3A_40 = arith.mulf %mul3A_39, %dot_general3A_37 : vector<128x512xf32>
    %sub3A = vector.broadcast %broadcast_in_dim3A_35 : vector<128x1xf32> to vector<128x512xf32>
    %sub3A_41 = arith.subf %sub3A, %mul3A_40 : vector<128x512xf32>
    %reshape3A = vector.shape_cast %broadcast_in_dim3A : vector<512x1xf32> to vector<1x512xf32>
    %add3A_42 = vector.broadcast %reshape3A : vector<1x512xf32> to vector<128x512xf32>
    %add3A_43 = arith.addf %sub3A_41, %add3A_42 : vector<128x512xf32>
    %swap3A = arith.constant 0 : index
    %swap3A_44 = arith.constant 0 : index
    %swap3A_45 = vector.load %arg13[%swap3A, %swap3A_44] : memref<128x512xf32, #tpu.memory_space<vmem>>, vector<128x512xf32>
    tpu.vector_store %arg13[%swap3A, %swap3A_44], %add3A_43 {strides = array<i32>} : memref<128x512xf32, #tpu.memory_space<vmem>>, vector<128x512xf32>,
    %iota3A_46 = tpu.iota {dimensions = array<i32: 1>} : vector<128x512xi32>
    %broadcast_in_dim3A_47 = arith.constant -3.000000e+38 : f32
    %broadcast_in_dim3A_48 = vector.broadcast %broadcast_in_dim3A_47 : f32 to vector<128x128xf32>
    %scan3A = arith.constant 0 : i32
    %scan3A_49 = arith.constant 32 : i32
    %scan3A_50 = arith.addi %scan3A, %scan3A_49 : i32
    %scan3A_51 = arith.constant 1 : i32
    %scan3A_52 = scf.for %scan3A_118 = %scan3A to %scan3A_50 step %scan3A_51 iter_args(%scan3A_119 = %broadcast_in_dim3A_48) -> (vector<128x128xf32>)  : i32 {
      %get3A_120 = arith.constant 0 : index
      %get3A_121 = arith.constant 0 : index
      %get3A_122 = vector.load %arg13[%get3A_120, %get3A_121] : memref<128x512xf32, #tpu.memory_space<vmem>>, vector<128x512xf32>
      %reduce_min3A = arith.constant dense<0x7F800000> : vector<128xf32>
      %reduce_min3A_123 = vector.multi_reduction <minimumf>, %get3A_122, %reduce_min3A [1] : vector<128x512xf32> to vector<128xf32>
      %broadcast_in_dim3A_124 = vector.shape_cast %reduce_min3A_123 : vector<128xf32> to vector<128x1xf32>
      %eq3A_125 = vector.broadcast %broadcast_in_dim3A_124 : vector<128x1xf32> to vector<128x512xf32>
      %eq3A_126 = arith.cmpf oeq, %get3A_122, %eq3A_125 : vector<128x512xf32>
      %jit3A = arith.constant 1073741824 : i32
      %broadcast_in_dim3A_127 = vector.broadcast %jit3A : i32 to vector<128x512xi32>
      %select_n3A = arith.select %eq3A_126, %iota3A_46, %broadcast_in_dim3A_127 : vector<128x512xi1>, vector<128x512xi32>
      %reduce_min3A_128 = arith.constant dense<2147483647> : vector<128xi32>
      %reduce_min3A_129 = vector.multi_reduction <minsi>, %select_n3A, %reduce_min3A_128 [1] : vector<128x512xi32> to vector<128xi32>
      %broadcast_in_dim3A_130 = vector.shape_cast %reduce_min3A_129 : vector<128xi32> to vector<128x1xi32>
      %eq3A_131 = vector.broadcast %broadcast_in_dim3A_130 : vector<128x1xi32> to vector<128x512xi32>
      %eq3A_132 = arith.cmpi eq, %iota3A_46, %eq3A_131 : vector<128x512xi32>
      %jit3A_133 = arith.constant 0x7F800000 : f32
      %broadcast_in_dim3A_134 = vector.broadcast %jit3A_133 : f32 to vector<128x512xf32>
      %select_n3A_135 = arith.select %eq3A_132, %broadcast_in_dim3A_134, %get3A_122 : vector<128x512xi1>, vector<128x512xf32>
      %swap3A_136 = arith.constant 0 : index
      %swap3A_137 = arith.constant 0 : index
      %swap3A_138 = vector.load %arg13[%swap3A_136, %swap3A_137] : memref<128x512xf32, #tpu.memory_space<vmem>>, vector<128x512xf32>
      tpu.vector_store %arg13[%swap3A_136, %swap3A_137], %select_n3A_135 {strides = array<i32>} : memref<128x512xf32, #tpu.memory_space<vmem>>, vector<128x512xf32>,
      %convert_element_type3A_139 = arith.extui %eq3A_132 : vector<128x512xi1> to vector<128x512xi32>
      %convert_element_type3A_140 = arith.sitofp %convert_element_type3A_139 : vector<128x512xi32> to vector<128x512xf32>
      %dot_general3A_141 = arith.constant dense<0.000000e+00> : vector<128x128xf32>
      %dot_general3A_142 = tpu.matmul %convert_element_type3A_140, %add3A_23, %dot_general3A_141 {dimension_numbers = #tpu.dot_dimension_numbers<[1], [0], [0], [1], [0, 0, 1, 1], [], []>, precision = #tpu.contract_precision<fp32>, transpose_lhs_hint = false} : vector<128x512xf32>, vector<512x128xf32>, vector<128x128xf32> -> vector<128x128xf32>
      %max3A_143 = arith.maximumf %scan3A_119, %dot_general3A_142 : vector<128x128xf32>
      scf.yield %max3A_143 : vector<128x128xf32>
    }
    %dot_general3A_53 = arith.constant dense<0.000000e+00> : vector<512x128xf32>
    %dot_general3A_54 = tpu.matmul %get3A_3, %dot_general3A_30, %dot_general3A_53 {dimension_numbers = #tpu.dot_dimension_numbers<[1], [1], [0], [0], [0, 0, 1, 0], [], []>, transpose_lhs_hint = false} : vector<512x64xf32>, vector<128x64xf32>, vector<512x128xf32> -> vector<512x128xf32>
    %mul3A_55 = arith.constant 2.000000e+00 : f32
    %mul3A_56 = vector.broadcast %mul3A_55 : f32 to vector<512x128xf32>
    %mul3A_57 = arith.mulf %mul3A_56, %dot_general3A_54 : vector<512x128xf32>
    %sub3A_58 = vector.broadcast %broadcast_in_dim3A : vector<512x1xf32> to vector<512x128xf32>
    %sub3A_59 = arith.subf %sub3A_58, %mul3A_57 : vector<512x128xf32>
    %reshape3A_60 = vector.shape_cast %broadcast_in_dim3A_35 : vector<128x1xf32> to vector<1x128xf32>
    %add3A_61 = vector.broadcast %reshape3A_60 : vector<1x128xf32> to vector<512x128xf32>
    %add3A_62 = arith.addf %sub3A_59, %add3A_61 : vector<512x128xf32>
    %swap3A_63 = arith.constant 0 : index
    %swap3A_64 = arith.constant 0 : index
    %swap3A_65 = vector.load %arg14[%swap3A_63, %swap3A_64] : memref<512x128xf32, #tpu.memory_space<vmem>>, vector<512x128xf32>
    tpu.vector_store %arg14[%swap3A_63, %swap3A_64], %add3A_62 {strides = array<i32>} : memref<512x128xf32, #tpu.memory_space<vmem>>, vector<512x128xf32>,
    %iota3A_66 = tpu.iota {dimensions = array<i32: 1>} : vector<512x128xi32>
    %scan3A_67 = arith.constant 0 : i32
    %scan3A_68 = arith.constant 3 : i32
    %scan3A_69 = arith.addi %scan3A_67, %scan3A_68 : i32
    %scan3A_70 = arith.constant 1 : i32
    scf.for %scan3A_118 = %scan3A_67 to %scan3A_69 step %scan3A_70  : i32 {
      %get3A_119 = arith.constant 0 : index
      %get3A_120 = arith.constant 0 : index
      %get3A_121 = vector.load %arg14[%get3A_119, %get3A_120] : memref<512x128xf32, #tpu.memory_space<vmem>>, vector<512x128xf32>
      %reduce_min3A = arith.constant dense<0x7F800000> : vector<512xf32>
      %reduce_min3A_122 = vector.multi_reduction <minimumf>, %get3A_121, %reduce_min3A [1] : vector<512x128xf32> to vector<512xf32>
      %broadcast_in_dim3A_123 = vector.shape_cast %reduce_min3A_122 : vector<512xf32> to vector<512x1xf32>
      %eq3A_124 = vector.broadcast %broadcast_in_dim3A_123 : vector<512x1xf32> to vector<512x128xf32>
      %eq3A_125 = arith.cmpf oeq, %get3A_121, %eq3A_124 : vector<512x128xf32>
      %jit3A = arith.constant 1073741824 : i32
      %broadcast_in_dim3A_126 = vector.broadcast %jit3A : i32 to vector<512x128xi32>
      %select_n3A = arith.select %eq3A_125, %iota3A_66, %broadcast_in_dim3A_126 : vector<512x128xi1>, vector<512x128xi32>
      %reduce_min3A_127 = arith.constant dense<2147483647> : vector<512xi32>
      %reduce_min3A_128 = vector.multi_reduction <minsi>, %select_n3A, %reduce_min3A_127 [1] : vector<512x128xi32> to vector<512xi32>
      %broadcast_in_dim3A_129 = vector.shape_cast %reduce_min3A_128 : vector<512xi32> to vector<512x1xi32>
      %eq3A_130 = vector.broadcast %broadcast_in_dim3A_129 : vector<512x1xi32> to vector<512x128xi32>
      %eq3A_131 = arith.cmpi eq, %iota3A_66, %eq3A_130 : vector<512x128xi32>
      %jit3A_132 = arith.constant 0x7F800000 : f32
      %broadcast_in_dim3A_133 = vector.broadcast %jit3A_132 : f32 to vector<512x128xf32>
      %select_n3A_134 = arith.select %eq3A_131, %broadcast_in_dim3A_133, %get3A_121 : vector<512x128xi1>, vector<512x128xf32>
      %swap3A_135 = arith.constant 0 : index
      %swap3A_136 = arith.constant 0 : index
      %swap3A_137 = vector.load %arg14[%swap3A_135, %swap3A_136] : memref<512x128xf32, #tpu.memory_space<vmem>>, vector<512x128xf32>
      tpu.vector_store %arg14[%swap3A_135, %swap3A_136], %select_n3A_134 {strides = array<i32>} : memref<512x128xf32, #tpu.memory_space<vmem>>, vector<512x128xf32>,
    }
    %get3A_71 = arith.constant 0 : index
    %get3A_72 = arith.constant 0 : index
    %get3A_73 = vector.load %arg14[%get3A_71, %get3A_72] : memref<512x128xf32, #tpu.memory_space<vmem>>, vector<512x128xf32>
    %abs3A = math.absf %get3A_73 : vector<512x128xf32>
    %eq3A_74 = arith.constant 0x7F800000 : f32
    %eq3A_75 = vector.broadcast %eq3A_74 : f32 to vector<512x128xf32>
    %eq3A_76 = arith.cmpf oeq, %abs3A, %eq3A_75 : vector<512x128xf32>
    %convert_element_type3A_77 = arith.extui %eq3A_76 : vector<512x128xi1> to vector<512x128xi32>
    %convert_element_type3A_78 = arith.sitofp %convert_element_type3A_77 : vector<512x128xi32> to vector<512x128xf32>
    %dot_general3A_79 = arith.constant dense<0.000000e+00> : vector<512x128xf32>
    %dot_general3A_80 = tpu.matmul %convert_element_type3A_78, %scan3A_52, %dot_general3A_79 {dimension_numbers = #tpu.dot_dimension_numbers<[1], [0], [0], [1], [0, 0, 1, 1], [], []>, precision = #tpu.contract_precision<fp32>, transpose_lhs_hint = false} : vector<512x128xf32>, vector<128x128xf32>, vector<512x128xf32> -> vector<512x128xf32>
    %div3A = arith.constant 3.000000e+00 : f32
    %div3A_81 = vector.broadcast %div3A : f32 to vector<512x128xf32>
    %div3A_82 = arith.divf %dot_general3A_80, %div3A_81 : vector<512x128xf32>
    %get3A_83 = arith.constant 0 : index
    %get3A_84 = arith.constant 0 : index
    %get3A_85 = vector.load %arg7[%get3A_83, %get3A_84] : memref<64x64xf32, #tpu.memory_space<vmem>>, vector<64x64xf32>
    %dot_general3A_86 = arith.constant dense<0.000000e+00> : vector<512x64xf32>
    %dot_general3A_87 = tpu.matmul %get3A_3, %get3A_85, %dot_general3A_86 {dimension_numbers = #tpu.dot_dimension_numbers<[1], [0], [0], [1], [0, 0, 1, 1], [], []>, transpose_lhs_hint = false} : vector<512x64xf32>, vector<64x64xf32>, vector<512x64xf32> -> vector<512x64xf32>
    %get3A_88 = arith.constant 0 : index
    %get3A_89 = arith.constant 0 : index
    %get3A_90 = vector.load %arg8[%get3A_88, %get3A_89] : memref<128x64xf32, #tpu.memory_space<vmem>>, vector<128x64xf32>
    %dot_general3A_91 = arith.constant dense<0.000000e+00> : vector<512x64xf32>
    %dot_general3A_92 = tpu.matmul %div3A_82, %get3A_90, %dot_general3A_91 {dimension_numbers = #tpu.dot_dimension_numbers<[1], [0], [0], [1], [0, 0, 1, 1], [], []>, transpose_lhs_hint = false} : vector<512x128xf32>, vector<128x64xf32>, vector<512x64xf32> -> vector<512x64xf32>
    %add3A_93 = arith.addf %dot_general3A_87, %dot_general3A_92 : vector<512x64xf32>
    %get3A_94 = arith.constant 0 : index
    %get3A_95 = arith.constant 0 : index
    %get3A_96 = vector.load %arg9[%get3A_94, %get3A_95] : memref<1x64xf32, #tpu.memory_space<vmem>>, vector<1x64xf32>
    %add3A_97 = vector.broadcast %get3A_96 : vector<1x64xf32> to vector<512x64xf32>
    %add3A_98 = arith.addf %add3A_93, %add3A_97 : vector<512x64xf32>
    %max3A_99 = arith.constant 0.000000e+00 : f32
    %max3A_100 = vector.broadcast %max3A_99 : f32 to vector<512x64xf32>
    %max3A_101 = arith.maximumf %add3A_98, %max3A_100 : vector<512x64xf32>
    %get3A_102 = arith.constant 0 : index
    %get3A_103 = arith.constant 0 : index
    %get3A_104 = vector.load %arg10[%get3A_102, %get3A_103] : memref<64x64xf32, #tpu.memory_space<vmem>>, vector<64x64xf32>
    %dot_general3A_105 = arith.constant dense<0.000000e+00> : vector<512x64xf32>
    %dot_general3A_106 = tpu.matmul %max3A_101, %get3A_104, %dot_general3A_105 {dimension_numbers = #tpu.dot_dimension_numbers<[1], [0], [0], [1], [0, 0, 1, 1], [], []>, transpose_lhs_hint = false} : vector<512x64xf32>, vector<64x64xf32>, vector<512x64xf32> -> vector<512x64xf32>
    %get3A_107 = arith.constant 0 : index
    %get3A_108 = arith.constant 0 : index
    %get3A_109 = vector.load %arg11[%get3A_107, %get3A_108] : memref<1x64xf32, #tpu.memory_space<vmem>>, vector<1x64xf32>
    %add3A_110 = vector.broadcast %get3A_109 : vector<1x64xf32> to vector<512x64xf32>
    %add3A_111 = arith.addf %dot_general3A_106, %add3A_110 : vector<512x64xf32>
    %swap3A_112 = arith.constant 0 : index
    %swap3A_113 = arith.constant 0 : index
    %swap3A_114 = arith.constant 0 : index
    %swap3A_115 = vector.load %arg12[%swap3A_112, %swap3A_113, %swap3A_114] : memref<1x512x64xf32, #tpu.memory_space<vmem>>, vector<1x512x64xf32>
    %swap3A_116 = vector.shape_cast %swap3A_115 : vector<1x512x64xf32> to vector<512x64xf32>
    %swap3A_117 = vector.shape_cast %add3A_111 : vector<512x64xf32> to vector<1x512x64xf32>
    tpu.vector_store %arg12[%swap3A_112, %swap3A_113, %swap3A_114], %swap3A_117 {strides = array<i32>} : memref<1x512x64xf32, #tpu.memory_space<vmem>>, vector<1x512x64xf32>,
    return
  }
  func.func @transform_0(%arg0: i32) -> (i32, i32, i32) {
    %c0_i32 = arith.constant 0 : i32
    %c0_i32_0 = arith.constant 0 : i32
    %c0_i32_1 = arith.constant 0 : i32
    return %arg0, %c0_i32, %c0_i32_0 : i32, i32, i32
  }
  func.func @transform_1(%arg0: i32) -> (i32, i32) {
    %c0_i32 = arith.constant 0 : i32
    %c0_i32_0 = arith.constant 0 : i32
    %c0_i32_1 = arith.constant 0 : i32
    return %c0_i32, %c0_i32_0 : i32, i32
  }
  func.func @transform_2(%arg0: i32) -> (i32, i32) {
    %c0_i32 = arith.constant 0 : i32
    %c0_i32_0 = arith.constant 0 : i32
    %c0_i32_1 = arith.constant 0 : i32
    return %c0_i32, %c0_i32_0 : i32, i32
  }
  func.func @transform_3(%arg0: i32) -> (i32, i32) {
    %c0_i32 = arith.constant 0 : i32
    %c0_i32_0 = arith.constant 0 : i32
    %c0_i32_1 = arith.constant 0 : i32
    return %c0_i32, %c0_i32_0 : i32, i32
  }
  func.func @transform_4(%arg0: i32) -> (i32, i32) {
    %c0_i32 = arith.constant 0 : i32
    %c0_i32_0 = arith.constant 0 : i32
    %c0_i32_1 = arith.constant 0 : i32
    return %c0_i32, %c0_i32_0 : i32, i32
  }
  func.func @transform_5(%arg0: i32) -> (i32, i32) {
    %c0_i32 = arith.constant 0 : i32
    %c0_i32_0 = arith.constant 0 : i32
    %c0_i32_1 = arith.constant 0 : i32
    return %c0_i32, %c0_i32_0 : i32, i32
  }
  func.func @transform_6(%arg0: i32) -> (i32, i32) {
    %c0_i32 = arith.constant 0 : i32
    %c0_i32_0 = arith.constant 0 : i32
    %c0_i32_1 = arith.constant 0 : i32
    return %c0_i32, %c0_i32_0 : i32, i32
  }
  func.func @transform_7(%arg0: i32) -> (i32, i32) {
    %c0_i32 = arith.constant 0 : i32
    %c0_i32_0 = arith.constant 0 : i32
    %c0_i32_1 = arith.constant 0 : i32
    return %c0_i32, %c0_i32_0 : i32, i32
  }
  func.func @transform_8(%arg0: i32) -> (i32, i32) {
    %c0_i32 = arith.constant 0 : i32
    %c0_i32_0 = arith.constant 0 : i32
    %c0_i32_1 = arith.constant 0 : i32
    return %c0_i32, %c0_i32_0 : i32, i32
  }
  func.func @transform_9(%arg0: i32) -> (i32, i32) {
    %c0_i32 = arith.constant 0 : i32
    %c0_i32_0 = arith.constant 0 : i32
    %c0_i32_1 = arith.constant 0 : i32
    return %c0_i32, %c0_i32_0 : i32, i32
  }
  func.func @transform_10(%arg0: i32) -> (i32, i32) {
    %c0_i32 = arith.constant 0 : i32
    %c0_i32_0 = arith.constant 0 : i32
    %c0_i32_1 = arith.constant 0 : i32
    return %c0_i32, %c0_i32_0 : i32, i32
  }
  func.func @transform_11(%arg0: i32) -> (i32, i32, i32) {
    %c0_i32 = arith.constant 0 : i32
    %c0_i32_0 = arith.constant 0 : i32
    %c0_i32_1 = arith.constant 0 : i32
    return %arg0, %c0_i32, %c0_i32_0 : i32, i32, i32
  }
}

module attributes {stable_mosaic.version = 14 : i64} {
  func.func @_fp2_kernel(%arg0: i32, %arg1: i32, %arg2: memref<1x3x2048xf32, #tpu.memory_space<vmem>>, %arg3: memref<1x3x512xf32, #tpu.memory_space<vmem>>, %arg4: memref<1x512x64xf32, #tpu.memory_space<vmem>>, %arg5: memref<3x32xf32, #tpu.memory_space<vmem>>, %arg6: memref<64x32xf32, #tpu.memory_space<vmem>>, %arg7: memref<1x32xf32, #tpu.memory_space<vmem>>, %arg8: memref<32x32xf32, #tpu.memory_space<vmem>>, %arg9: memref<1x32xf32, #tpu.memory_space<vmem>>, %arg10: memref<32x2xf32, #tpu.memory_space<vmem>>, %arg11: memref<1x2xf32, #tpu.memory_space<vmem>>, %arg12: memref<1x2048x2xf32, #tpu.memory_space<vmem>>, %arg13: memref<2048x512xf32, #tpu.memory_space<vmem>>) attributes {dimension_semantics = [#tpu.dimension_semantics<arbitrary>, #tpu.dimension_semantics<arbitrary>], iteration_bounds = array<i64: 4, 8>, scalar_prefetch = 0 : i64, scratch_operands = 1 : i64, tpu.core_type = #tpu.core_type<tc>, window_params = [{transform_indices = @transform_0, window_bounds = array<i64: 1, 3, 2048>}, {transform_indices = @transform_1, window_bounds = array<i64: 1, 3, 512>}, {transform_indices = @transform_2, window_bounds = array<i64: 1, 512, 64>}, {pipeline_mode = #tpu.pipeline_mode<synchronous>, transform_indices = @transform_3, window_bounds = array<i64: 3, 32>}, {pipeline_mode = #tpu.pipeline_mode<synchronous>, transform_indices = @transform_4, window_bounds = array<i64: 64, 32>}, {pipeline_mode = #tpu.pipeline_mode<synchronous>, transform_indices = @transform_5, window_bounds = array<i64: 1, 32>}, {pipeline_mode = #tpu.pipeline_mode<synchronous>, transform_indices = @transform_6, window_bounds = array<i64: 32, 32>}, {pipeline_mode = #tpu.pipeline_mode<synchronous>, transform_indices = @transform_7, window_bounds = array<i64: 1, 32>}, {pipeline_mode = #tpu.pipeline_mode<synchronous>, transform_indices = @transform_8, window_bounds = array<i64: 32, 2>}, {pipeline_mode = #tpu.pipeline_mode<synchronous>, transform_indices = @transform_9, window_bounds = array<i64: 1, 2>}, {transform_indices = @transform_10, window_bounds = array<i64: 1, 2048, 2>}]} {
    %get3A = arith.constant 0 : index
    %get3A_0 = arith.constant 0 : index
    %get3A_1 = arith.constant 0 : index
    %get3A_2 = vector.load %arg2[%get3A, %get3A_0, %get3A_1] : memref<1x3x2048xf32, #tpu.memory_space<vmem>>, vector<1x3x2048xf32>
    %get3A_3 = vector.shape_cast %get3A_2 : vector<1x3x2048xf32> to vector<3x2048xf32>
    %get3A_4 = arith.constant 0 : index
    %get3A_5 = arith.constant 0 : index
    %get3A_6 = arith.constant 0 : index
    %get3A_7 = vector.load %arg3[%get3A_4, %get3A_5, %get3A_6] : memref<1x3x512xf32, #tpu.memory_space<vmem>>, vector<1x3x512xf32>
    %get3A_8 = vector.shape_cast %get3A_7 : vector<1x3x512xf32> to vector<3x512xf32>
    %mul3A = arith.mulf %get3A_3, %get3A_3 : vector<3x2048xf32>
    %reduce_sum3A = arith.constant dense<0.000000e+00> : vector<2048xf32>
    %reduce_sum3A_9 = vector.multi_reduction <add>, %mul3A, %reduce_sum3A [0] : vector<3x2048xf32> to vector<2048xf32>
    %broadcast_in_dim3A = vector.shape_cast %reduce_sum3A_9 : vector<2048xf32> to vector<1x2048xf32>
    %mul3A_10 = arith.mulf %get3A_8, %get3A_8 : vector<3x512xf32>
    %reduce_sum3A_11 = arith.constant dense<0.000000e+00> : vector<512xf32>
    %reduce_sum3A_12 = vector.multi_reduction <add>, %mul3A_10, %reduce_sum3A_11 [0] : vector<3x512xf32> to vector<512xf32>
    %broadcast_in_dim3A_13 = vector.shape_cast %reduce_sum3A_12 : vector<512xf32> to vector<1x512xf32>
    %dot_general3A = arith.constant dense<0.000000e+00> : vector<2048x512xf32>
    %dot_general3A_14 = tpu.matmul %get3A_3, %get3A_8, %dot_general3A {dimension_numbers = #tpu.dot_dimension_numbers<[0], [0], [1], [1], [0, 1, 1, 1], [], []>, transpose_lhs_hint = false} : vector<3x2048xf32>, vector<3x512xf32>, vector<2048x512xf32> -> vector<2048x512xf32>
    %reshape3A = vector.shape_cast %broadcast_in_dim3A : vector<1x2048xf32> to vector<2048x1xf32>
    %mul3A_15 = arith.constant 2.000000e+00 : f32
    %mul3A_16 = vector.broadcast %mul3A_15 : f32 to vector<2048x512xf32>
    %mul3A_17 = arith.mulf %mul3A_16, %dot_general3A_14 : vector<2048x512xf32>
    %sub3A = vector.broadcast %reshape3A : vector<2048x1xf32> to vector<2048x512xf32>
    %sub3A_18 = arith.subf %sub3A, %mul3A_17 : vector<2048x512xf32>
    %add3A = vector.broadcast %broadcast_in_dim3A_13 : vector<1x512xf32> to vector<2048x512xf32>
    %add3A_19 = arith.addf %sub3A_18, %add3A : vector<2048x512xf32>
    %swap3A = arith.constant 0 : index
    %swap3A_20 = arith.constant 0 : index
    %swap3A_21 = vector.load %arg13[%swap3A, %swap3A_20] : memref<2048x512xf32, #tpu.memory_space<vmem>>, vector<2048x512xf32>
    tpu.vector_store %arg13[%swap3A, %swap3A_20], %add3A_19 {strides = array<i32>} : memref<2048x512xf32, #tpu.memory_space<vmem>>, vector<2048x512xf32>,
    %iota3A = tpu.iota {dimensions = array<i32: 1>} : vector<2048x512xi32>
    %scan3A = arith.constant 0 : i32
    %scan3A_22 = arith.constant 3 : i32
    %scan3A_23 = arith.addi %scan3A, %scan3A_22 : i32
    %scan3A_24 = arith.constant 1 : i32
    scf.for %scan3A_93 = %scan3A to %scan3A_23 step %scan3A_24  : i32 {
      %get3A_94 = arith.constant 0 : index
      %get3A_95 = arith.constant 0 : index
      %get3A_96 = vector.load %arg13[%get3A_94, %get3A_95] : memref<2048x512xf32, #tpu.memory_space<vmem>>, vector<2048x512xf32>
      %reduce_min3A = arith.constant dense<0x7F800000> : vector<2048xf32>
      %reduce_min3A_97 = vector.multi_reduction <minimumf>, %get3A_96, %reduce_min3A [1] : vector<2048x512xf32> to vector<2048xf32>
      %broadcast_in_dim3A_98 = vector.shape_cast %reduce_min3A_97 : vector<2048xf32> to vector<2048x1xf32>
      %eq3A_99 = vector.broadcast %broadcast_in_dim3A_98 : vector<2048x1xf32> to vector<2048x512xf32>
      %eq3A_100 = arith.cmpf oeq, %get3A_96, %eq3A_99 : vector<2048x512xf32>
      %jit3A = arith.constant 1073741824 : i32
      %broadcast_in_dim3A_101 = vector.broadcast %jit3A : i32 to vector<2048x512xi32>
      %select_n3A = arith.select %eq3A_100, %iota3A, %broadcast_in_dim3A_101 : vector<2048x512xi1>, vector<2048x512xi32>
      %reduce_min3A_102 = arith.constant dense<2147483647> : vector<2048xi32>
      %reduce_min3A_103 = vector.multi_reduction <minsi>, %select_n3A, %reduce_min3A_102 [1] : vector<2048x512xi32> to vector<2048xi32>
      %broadcast_in_dim3A_104 = vector.shape_cast %reduce_min3A_103 : vector<2048xi32> to vector<2048x1xi32>
      %eq3A_105 = vector.broadcast %broadcast_in_dim3A_104 : vector<2048x1xi32> to vector<2048x512xi32>
      %eq3A_106 = arith.cmpi eq, %iota3A, %eq3A_105 : vector<2048x512xi32>
      %jit3A_107 = arith.constant 0x7F800000 : f32
      %broadcast_in_dim3A_108 = vector.broadcast %jit3A_107 : f32 to vector<2048x512xf32>
      %select_n3A_109 = arith.select %eq3A_106, %broadcast_in_dim3A_108, %get3A_96 : vector<2048x512xi1>, vector<2048x512xf32>
      %swap3A_110 = arith.constant 0 : index
      %swap3A_111 = arith.constant 0 : index
      %swap3A_112 = vector.load %arg13[%swap3A_110, %swap3A_111] : memref<2048x512xf32, #tpu.memory_space<vmem>>, vector<2048x512xf32>
      tpu.vector_store %arg13[%swap3A_110, %swap3A_111], %select_n3A_109 {strides = array<i32>} : memref<2048x512xf32, #tpu.memory_space<vmem>>, vector<2048x512xf32>,
    }
    %get3A_25 = arith.constant 0 : index
    %get3A_26 = arith.constant 0 : index
    %get3A_27 = vector.load %arg13[%get3A_25, %get3A_26] : memref<2048x512xf32, #tpu.memory_space<vmem>>, vector<2048x512xf32>
    %abs3A = math.absf %get3A_27 : vector<2048x512xf32>
    %eq3A = arith.constant 0x7F800000 : f32
    %eq3A_28 = vector.broadcast %eq3A : f32 to vector<2048x512xf32>
    %eq3A_29 = arith.cmpf oeq, %abs3A, %eq3A_28 : vector<2048x512xf32>
    %convert_element_type3A = arith.extui %eq3A_29 : vector<2048x512xi1> to vector<2048x512xi32>
    %convert_element_type3A_30 = arith.sitofp %convert_element_type3A : vector<2048x512xi32> to vector<2048x512xf32>
    %get3A_31 = arith.constant 0 : index
    %get3A_32 = arith.constant 0 : index
    %get3A_33 = arith.constant 0 : index
    %get3A_34 = vector.load %arg4[%get3A_31, %get3A_32, %get3A_33] : memref<1x512x64xf32, #tpu.memory_space<vmem>>, vector<1x512x64xf32>
    %get3A_35 = vector.shape_cast %get3A_34 : vector<1x512x64xf32> to vector<512x64xf32>
    %dot_general3A_36 = arith.constant dense<0.000000e+00> : vector<2048x64xf32>
    %dot_general3A_37 = tpu.matmul %convert_element_type3A_30, %get3A_35, %dot_general3A_36 {dimension_numbers = #tpu.dot_dimension_numbers<[1], [0], [0], [1], [0, 0, 1, 1], [], []>, precision = #tpu.contract_precision<fp32>, transpose_lhs_hint = false} : vector<2048x512xf32>, vector<512x64xf32>, vector<2048x64xf32> -> vector<2048x64xf32>
    %div3A = arith.constant 3.000000e+00 : f32
    %div3A_38 = vector.broadcast %div3A : f32 to vector<2048x64xf32>
    %div3A_39 = arith.divf %dot_general3A_37, %div3A_38 : vector<2048x64xf32>
    %get3A_40 = arith.constant 0 : index
    %get3A_41 = arith.constant 0 : index
    %get3A_42 = vector.load %arg5[%get3A_40, %get3A_41] : memref<3x32xf32, #tpu.memory_space<vmem>>, vector<3x32xf32>
    %dot_general3A_43 = arith.constant dense<0.000000e+00> : vector<2048x32xf32>
    %dot_general3A_44 = tpu.matmul %get3A_3, %get3A_42, %dot_general3A_43 {dimension_numbers = #tpu.dot_dimension_numbers<[0], [0], [1], [1], [0, 1, 1, 1], [], []>, transpose_lhs_hint = false} : vector<3x2048xf32>, vector<3x32xf32>, vector<2048x32xf32> -> vector<2048x32xf32>
    %get3A_45 = arith.constant 0 : index
    %get3A_46 = arith.constant 0 : index
    %get3A_47 = vector.load %arg6[%get3A_45, %get3A_46] : memref<64x32xf32, #tpu.memory_space<vmem>>, vector<64x32xf32>
    %dot_general3A_48 = arith.constant dense<0.000000e+00> : vector<2048x32xf32>
    %dot_general3A_49 = tpu.matmul %div3A_39, %get3A_47, %dot_general3A_48 {dimension_numbers = #tpu.dot_dimension_numbers<[1], [0], [0], [1], [0, 0, 1, 1], [], []>, transpose_lhs_hint = false} : vector<2048x64xf32>, vector<64x32xf32>, vector<2048x32xf32> -> vector<2048x32xf32>
    %add3A_50 = arith.addf %dot_general3A_44, %dot_general3A_49 : vector<2048x32xf32>
    %get3A_51 = arith.constant 0 : index
    %get3A_52 = arith.constant 0 : index
    %get3A_53 = vector.load %arg7[%get3A_51, %get3A_52] : memref<1x32xf32, #tpu.memory_space<vmem>>, vector<1x32xf32>
    %add3A_54 = vector.broadcast %get3A_53 : vector<1x32xf32> to vector<2048x32xf32>
    %add3A_55 = arith.addf %add3A_50, %add3A_54 : vector<2048x32xf32>
    %max3A = arith.constant 0.000000e+00 : f32
    %max3A_56 = vector.broadcast %max3A : f32 to vector<2048x32xf32>
    %max3A_57 = arith.maximumf %add3A_55, %max3A_56 : vector<2048x32xf32>
    %get3A_58 = arith.constant 0 : index
    %get3A_59 = arith.constant 0 : index
    %get3A_60 = vector.load %arg8[%get3A_58, %get3A_59] : memref<32x32xf32, #tpu.memory_space<vmem>>, vector<32x32xf32>
    %dot_general3A_61 = arith.constant dense<0.000000e+00> : vector<2048x32xf32>
    %dot_general3A_62 = tpu.matmul %max3A_57, %get3A_60, %dot_general3A_61 {dimension_numbers = #tpu.dot_dimension_numbers<[1], [0], [0], [1], [0, 0, 1, 1], [], []>, transpose_lhs_hint = false} : vector<2048x32xf32>, vector<32x32xf32>, vector<2048x32xf32> -> vector<2048x32xf32>
    %get3A_63 = arith.constant 0 : index
    %get3A_64 = arith.constant 0 : index
    %get3A_65 = vector.load %arg9[%get3A_63, %get3A_64] : memref<1x32xf32, #tpu.memory_space<vmem>>, vector<1x32xf32>
    %add3A_66 = vector.broadcast %get3A_65 : vector<1x32xf32> to vector<2048x32xf32>
    %add3A_67 = arith.addf %dot_general3A_62, %add3A_66 : vector<2048x32xf32>
    %get3A_68 = arith.constant 0 : index
    %get3A_69 = arith.constant 0 : index
    %get3A_70 = vector.load %arg10[%get3A_68, %get3A_69] : memref<32x2xf32, #tpu.memory_space<vmem>>, vector<32x2xf32>
    %dot_general3A_71 = arith.constant dense<0.000000e+00> : vector<2048x2xf32>
    %dot_general3A_72 = tpu.matmul %add3A_67, %get3A_70, %dot_general3A_71 {dimension_numbers = #tpu.dot_dimension_numbers<[1], [0], [0], [1], [0, 0, 1, 1], [], []>, transpose_lhs_hint = false} : vector<2048x32xf32>, vector<32x2xf32>, vector<2048x2xf32> -> vector<2048x2xf32>
    %get3A_73 = arith.constant 0 : index
    %get3A_74 = arith.constant 0 : index
    %get3A_75 = vector.load %arg11[%get3A_73, %get3A_74] : memref<1x2xf32, #tpu.memory_space<vmem>>, vector<1x2xf32>
    %add3A_76 = vector.broadcast %get3A_75 : vector<1x2xf32> to vector<2048x2xf32>
    %add3A_77 = arith.addf %dot_general3A_72, %add3A_76 : vector<2048x2xf32>
    %reduce_max3A = arith.constant dense<0xFF800000> : vector<2048xf32>
    %reduce_max3A_78 = vector.multi_reduction <maximumf>, %add3A_77, %reduce_max3A [1] : vector<2048x2xf32> to vector<2048xf32>
    %broadcast_in_dim3A_79 = vector.shape_cast %reduce_max3A_78 : vector<2048xf32> to vector<2048x1xf32>
    %sub3A_80 = vector.broadcast %broadcast_in_dim3A_79 : vector<2048x1xf32> to vector<2048x2xf32>
    %sub3A_81 = arith.subf %add3A_77, %sub3A_80 : vector<2048x2xf32>
    %exp3A = math.exp %sub3A_81 : vector<2048x2xf32>
    %reduce_sum3A_82 = arith.constant dense<0.000000e+00> : vector<2048xf32>
    %reduce_sum3A_83 = vector.multi_reduction <add>, %exp3A, %reduce_sum3A_82 [1] : vector<2048x2xf32> to vector<2048xf32>
    %broadcast_in_dim3A_84 = vector.shape_cast %reduce_sum3A_83 : vector<2048xf32> to vector<2048x1xf32>
    %log3A = math.log %broadcast_in_dim3A_84 : vector<2048x1xf32>
    %sub3A_85 = vector.broadcast %log3A : vector<2048x1xf32> to vector<2048x2xf32>
    %sub3A_86 = arith.subf %sub3A_81, %sub3A_85 : vector<2048x2xf32>
    %swap3A_87 = arith.constant 0 : index
    %swap3A_88 = arith.constant 0 : index
    %swap3A_89 = arith.constant 0 : index
    %swap3A_90 = vector.load %arg12[%swap3A_87, %swap3A_88, %swap3A_89] : memref<1x2048x2xf32, #tpu.memory_space<vmem>>, vector<1x2048x2xf32>
    %swap3A_91 = vector.shape_cast %swap3A_90 : vector<1x2048x2xf32> to vector<2048x2xf32>
    %swap3A_92 = vector.shape_cast %sub3A_86 : vector<2048x2xf32> to vector<1x2048x2xf32>
    tpu.vector_store %arg12[%swap3A_87, %swap3A_88, %swap3A_89], %swap3A_92 {strides = array<i32>} : memref<1x2048x2xf32, #tpu.memory_space<vmem>>, vector<1x2048x2xf32>,
    return
  }
  func.func @transform_0(%arg0: i32, %arg1: i32) -> (i32, i32, i32) {
    %c0_i32 = arith.constant 0 : i32
    %c0_i32_0 = arith.constant 0 : i32
    return %arg0, %c0_i32, %arg1 : i32, i32, i32
  }
  func.func @transform_1(%arg0: i32, %arg1: i32) -> (i32, i32, i32) {
    %c0_i32 = arith.constant 0 : i32
    %c0_i32_0 = arith.constant 0 : i32
    %c0_i32_1 = arith.constant 0 : i32
    return %arg0, %c0_i32, %c0_i32_0 : i32, i32, i32
  }
  func.func @transform_2(%arg0: i32, %arg1: i32) -> (i32, i32, i32) {
    %c0_i32 = arith.constant 0 : i32
    %c0_i32_0 = arith.constant 0 : i32
    %c0_i32_1 = arith.constant 0 : i32
    return %arg0, %c0_i32, %c0_i32_0 : i32, i32, i32
  }
  func.func @transform_3(%arg0: i32, %arg1: i32) -> (i32, i32) {
    %c0_i32 = arith.constant 0 : i32
    %c0_i32_0 = arith.constant 0 : i32
    %c0_i32_1 = arith.constant 0 : i32
    return %c0_i32, %c0_i32_0 : i32, i32
  }
  func.func @transform_4(%arg0: i32, %arg1: i32) -> (i32, i32) {
    %c0_i32 = arith.constant 0 : i32
    %c0_i32_0 = arith.constant 0 : i32
    %c0_i32_1 = arith.constant 0 : i32
    return %c0_i32, %c0_i32_0 : i32, i32
  }
  func.func @transform_5(%arg0: i32, %arg1: i32) -> (i32, i32) {
    %c0_i32 = arith.constant 0 : i32
    %c0_i32_0 = arith.constant 0 : i32
    %c0_i32_1 = arith.constant 0 : i32
    return %c0_i32, %c0_i32_0 : i32, i32
  }
  func.func @transform_6(%arg0: i32, %arg1: i32) -> (i32, i32) {
    %c0_i32 = arith.constant 0 : i32
    %c0_i32_0 = arith.constant 0 : i32
    %c0_i32_1 = arith.constant 0 : i32
    return %c0_i32, %c0_i32_0 : i32, i32
  }
  func.func @transform_7(%arg0: i32, %arg1: i32) -> (i32, i32) {
    %c0_i32 = arith.constant 0 : i32
    %c0_i32_0 = arith.constant 0 : i32
    %c0_i32_1 = arith.constant 0 : i32
    return %c0_i32, %c0_i32_0 : i32, i32
  }
  func.func @transform_8(%arg0: i32, %arg1: i32) -> (i32, i32) {
    %c0_i32 = arith.constant 0 : i32
    %c0_i32_0 = arith.constant 0 : i32
    %c0_i32_1 = arith.constant 0 : i32
    return %c0_i32, %c0_i32_0 : i32, i32
  }
  func.func @transform_9(%arg0: i32, %arg1: i32) -> (i32, i32) {
    %c0_i32 = arith.constant 0 : i32
    %c0_i32_0 = arith.constant 0 : i32
    %c0_i32_1 = arith.constant 0 : i32
    return %c0_i32, %c0_i32_0 : i32, i32
  }
  func.func @transform_10(%arg0: i32, %arg1: i32) -> (i32, i32, i32) {
    %c0_i32 = arith.constant 0 : i32
    %c0_i32_0 = arith.constant 0 : i32
    return %arg0, %arg1, %c0_i32 : i32, i32, i32
  }
}

</mosaic_0001>

<sc_bundles>
// kernel: kernel.7.cloned.1.call-start
scs
__scs_entry_jumppad:
0x0: {  	(pc) =	sbr.rel $0x88, $3  }
0x1: {  	(tag) =	ssettag $0x0;
	lr =	simm.s32 $0x1  }
0x2: {  	[smem:$0x3F8C] =	sst lr;
	_ =	strace $0xD0000000  }
0x3: {  	_ = 	snop  }
0x4: {  	_ = 	snop  }
0x5: {  	_ = 	snop  }
0x6: {  	_ = 	snop  }
0x7: {  	_ = 	snop  }
__scs_overlays_trampoline_lowered:
0x8: {  	[smem:$0x3F9B] =	sst s0  }
0x9: {  	[smem:$0x3F9C] =	sst s1  }
0xa: {  	[smem:$0x3F9D] =	sst s2  }
0xb: {  	[smem:$0x3F9E] =	sst s3  }
0xc: {  	[smem:$0x3F9F] =	sst s4  }
0xd: {  	[smem:$0x3FA0] =	sst s5  }
0xe: {  	[smem:$0x3FA1] =	sst s6  }
0xf: {  	[smem:$0x3FA2] =	sst s7  }
0x10: {  	[smem:$0x3FA3] =	sst s8  }
0x11: {  	[smem:$0x3FA4] =	sst s9;
	s0 =	simm.s32 @!p0 $0x0  }
0x12: {  	s1 =	sld [smem:$0x3F8A];
	s0 =	simm.s32 @p0 $0x1  }
0x13: {  	[smem:$0x3FA5] =	sst s0;
	s0 =	simm.s32 @!p1 $0x0  }
0x14: {  	s2 =	sld [smem:$0x3F89];
	s0 =	simm.s32 @p1 $0x1  }
0x15: {  	[smem:$0x3FA6] =	sst s0;
	s0 =	simm.s32 @!p2 $0x0  }
0x16: {  	s3 =	sld [smem:$0x3FDB];
	s0 =	simm.s32 @p2 $0x1  }
0x17: {  	s4 =	simm.s32 $0x1BF5;
	[smem:$0x3FA8] =	sst s0  }
0x18: {  	s0 =	sld [smem:$0x3F8B];
	_ =	swait.ge [sflag:s4], $0x0  }
0x19: {  	s7 =	sld [smem:$0x3F8C]  }
0x1a: {  	s8 =	sadd.s32 $0xFFFFE003, lr  }
0x1b: {  	s9 =	sadd.s32 $0xFFFFFEF7, lr;
	s5 =	simm.s32 $0xFFFFFFFF;
	p2 =	slt.u32 s8, $0xFFFFF086  }
0x1c: {  	p1 =	slt.u32 s9, $0xF7A;
	s5 =	simm.s32 @!p2 $0x0  }
0x1d: {  	s5 =	simm.s32 @p1 $0x1;
	p0 =	seq.s32 s7, s2  }
0x1e: {  	s7 =	smul.u32 @!p0 $0xF7A, s2;
	p2 =	seq.s32 @!p0 s5, $0x0  }
0x1f: {  	s9 =	smul.u32 $0xF7A, s1;
	s8 =	simm.s32 @!p0 $0x1BF5;
	p2 =	por !p2, p0  }
0x20: {  	[sflag:s8] =	ssyncset.s32 @!p0 $0xFFFFF086;
	s6 =	sadd.s32 @!p0 s3, s7;
	s7 =	simm.s32 @!p0 $0x108  }
0x21: {  	s3 =	sadd.s32 s3, s9;
	s6 =	sadd.s32 @!p0 $0x88, s6;
	s7 =	simm.s32 @p2 $0x1082  }
0x22: {  	[simem:s7], [sflag:s8] =	dma.local @!p0 [hbm:s6], $0xF7A  }
0x23: {  	s9 =	sor.u32 $0xD0000000, s2;
	s6 =	simm.s32 $0x108;
	_ =	swait.ge @!p0 [sflag:s8], $0x0  }
0x24: {  	s3 =	sadd.s32 $0x88, s3;
	s6 =	simm.s32 @!p1 $0x1082;
	[sflag:s4] =	ssyncset.s32 $0xFFFFF086  }
0x25: {  	[simem:s6], [sflag:s4] =	dma.local [hbm:s3], $0xF7A  }
0x26: {  	[smem:$0x3F8C] =	sst s1;
	(tag) =	ssettag s2;
	_ =	strace s9  }
0x27: {  	s1 =	sld [smem:$0x3F9C]  }
0x28: {  	s2 =	sld [smem:$0x3F9D]  }
0x29: {  	s4 =	sld [smem:$0x3F9F]  }
0x2a: {  	p0 =	seq.s32 s5, $0x0;
	s5 =	sld [smem:$0x3FA0]  }
0x2b: {  	s6 =	sld [smem:$0x3FA1]  }
0x2c: {  	s7 =	sld [smem:$0x3FA2]  }
0x2d: {  	s3 =	simm.s32 $0x108;
	s8 =	sld [smem:$0x3FA3]  }
0x2e: {  	s3 =	simm.s32 @!p0 $0x1082;
	s9 =	sld [smem:$0x3FA4]  }
0x2f: {  	lr =	sadd.s32 s0, s3;
	s0 =	sld [smem:$0x3F9B]  }
0x30: {  	s3 =	sld [smem:$0x3F9E]  }
0x31: {  	[smem:$0x3FA7] =	sst s10  }
0x32: {  	s10 =	sld [smem:$0x3FA5];
	_ =	sdelay $0x3  }
0x33: {  	p0 =	seq.s32 s10, $0x1;
	s10 =	sld [smem:$0x3FA7];
	_ =	sdelay $0x3  }
0x34: {  	[smem:$0x3FA7] =	sst s10  }
0x35: {  	s10 =	sld [smem:$0x3FA6];
	_ =	sdelay $0x3  }
0x36: {  	p1 =	seq.s32 s10, $0x1;
	s10 =	sld [smem:$0x3FA7];
	_ =	sdelay $0x3  }
0x37: {  	[smem:$0x3FA7] =	sst s10  }
0x38: {  	s10 =	sld [smem:$0x3FA8]  }
0x39: {  	_ = 	snop;
	(pc) =	sbr.ind lr, $3  }
0x3a: {  	_ = 	snop  }
0x3b: {  	_ = 	snop  }
0x3c: {  	p2 =	seq.s32 s10, $0x1;
	s10 =	sld [smem:$0x3FA7]  }
0x3d: {  	_ =	shalt  }
0x3e: {  	_ =	shalt  }
0x3f: {  	_ =	shalt  }
0x40: {  	_ =	shalt  }
0x41: {  	_ =	shalt  }
0x42: {  	_ =	shalt  }
0x43: {  	_ =	shalt  }
0x44: {  	_ =	shalt  }
0x45: {  	_ =	shalt  }
0x46: {  	_ =	shalt  }
0x47: {  	_ =	shalt  }
0x48: {  	_ =	shalt  }
0x49: {  	_ =	shalt  }
0x4a: {  	_ =	shalt  }
0x4b: {  	_ =	shalt  }
0x4c: {  	_ =	shalt  }
0x4d: {  	_ =	shalt  }
0x4e: {  	_ =	shalt  }
0x4f: {  	_ =	shalt  }
0x50: {  	_ =	shalt  }
0x51: {  	_ =	shalt  }
0x52: {  	_ =	shalt  }
0x53: {  	_ =	shalt  }
0x54: {  	_ =	shalt  }
0x55: {  	_ =	shalt  }
0x56: {  	_ =	shalt  }
0x57: {  	_ =	shalt  }
0x58: {  	_ =	shalt  }
0x59: {  	_ =	shalt  }
0x5a: {  	_ =	shalt  }
0x5b: {  	_ =	shalt  }
0x5c: {  	_ =	shalt  }
0x5d: {  	_ =	shalt  }
0x5e: {  	_ =	shalt  }
0x5f: {  	_ =	shalt  }
0x60: {  	_ =	shalt  }
0x61: {  	_ =	shalt  }
0x62: {  	_ =	shalt  }
0x63: {  	_ =	shalt  }
0x64: {  	_ =	shalt  }
0x65: {  	_ =	shalt  }
0x66: {  	_ =	shalt  }
0x67: {  	_ =	shalt  }
0x68: {  	_ =	shalt  }
0x69: {  	_ =	shalt  }
0x6a: {  	_ =	shalt  }
0x6b: {  	_ =	shalt  }
0x6c: {  	_ =	shalt  }
0x6d: {  	_ =	shalt  }
0x6e: {  	_ =	shalt  }
0x6f: {  	_ =	shalt  }
0x70: {  	_ =	shalt  }
0x71: {  	_ =	shalt  }
0x72: {  	_ =	shalt  }
0x73: {  	_ =	shalt  }
0x74: {  	_ =	shalt  }
0x75: {  	_ =	shalt  }
0x76: {  	_ =	shalt  }
0x77: {  	_ =	shalt  }
0x78: {  	_ =	shalt  }
0x79: {  	_ =	shalt  }
0x7a: {  	_ =	shalt  }
0x7b: {  	_ =	shalt  }
0x7c: {  	_ =	shalt  }
0x7d: {  	_ =	shalt  }
0x7e: {  	_ =	shalt  }
0x7f: {  	_ =	shalt  }
0x80: {  	_ =	shalt  }
0x81: {  	_ =	shalt  }
0x82: {  	_ =	shalt  }
0x83: {  	_ =	shalt  }
0x84: {  	_ =	shalt  }
0x85: {  	_ =	shalt  }
0x86: {  	_ =	shalt  }
0x87: {  	_ =	shalt  }
.Lfunc_end0:
.L_simem_size_0:
called_computation_lowered:
.L_overlay_start_0:
0x88: {  	s2 =	sld [smem:$0x3FD9]  }
0x89: {  	s3 =	sld [smem:$0x3FFE];
	_ =	sdelay $0x1  }
0x8a: {  	s1 =	srdreg.scid  }
0x8b: {  	s0 =	sand.u32 $0x1, s1  }
0x8c: {  	s17 =	sshll.u32 s0, $0xA;
	s2 =	sadd.s32 s3, s2  }
0x8d: {  	s2 =	sadd.s32 s2, s17  }
0x8e: {  	[smem:$0x3FB3] =	sst s2  }
0x8f: {  	_ = 	snop  }
0x90: {  	s2 =	sld [smem:$0x3FD0];
	(tm) =	ssettm $0x1  }
0x91: {  	s18 =	sld [smem:$0x3FFB];
	_ =	sdelay $0x3  }
0x92: {  	_ =	strace s18  }
0x93: {  	s3 =	sld [smem:$0x3FFC];
	_ =	sdelay $0x3  }
0x94: {  	_ =	strace s3  }
0x95: {  	s3 =	sld [smem:$0x3FFD];
	_ =	sdelay $0x3  }
0x96: {  	_ =	strace s3  }
0x97: {  	_ =	strace $0x8FFFFFFF  }
0x98: {  	s19 =	sld [smem:$0x3FDB];
	_ =	sdelay $0x1  }
0x99: {  	s4 =	simm.s32 $_scs_section_size  }
0x9a: {  	s5 =	simm.s32 $_size__tile_overlayer_lowered;
	s6 =	simm.s32 $_tile_overlayer_lowered  }
0x9b: {  	s22 =	simm.s32 $0x1BFF;
	s21 =	sshll.u32 s6, $0x1;
	s3 =	sadd.s32 s4, s19  }
0x9c: {  	s7 =	simm.s32 $0x0;
	s20 =	sshll.u32 s5, $0x1;
	s5 =	sadd.s32 s21, s3  }
0x9d: {  	[timem:s7], [sflag:s22] =	dma.local [hbm:s5], s20  }
0x9e: {  	_ =	swait.ge [sflag:s22], s20  }
0x9f: {  	s4 =	ssub.s32 $0x0, s20;
	[sflag:s22] =	ssyncset.done $0x0  }
0xa0: {  	[sflag:s22] =	ssyncadd.s32 s4;
	_ =	sdelay $0x1  }
0xa1: {  	s23 =	simm.s32 $0x1B8B  }
0xa2: {  	_ =	swait.ge [sflag:s23], $0x1  }
0xa3: {  	[sflag:s23] =	ssyncset.done $0x0  }
0xa4: {  	s25 =	simm.s32 $0x1B8E;
	s24 =	sld [smem:$0x3FFE];
	[sflag:s23] =	ssyncadd.s32 $0xFFFFFFFF  }
0xa5: {  	s26 =	simm.s32 $execute0_lowered;
	[smem:$0x3FD2] =	sst s25  }
0xa6: {  	s5 =	sshll.u32 s26, $0x1;
	_ =	strace $0x80000046;
	[dreg:$0x1] =	wrdreg $0xFFFFFFFF  }
0xa7: {  	s28 =	simm.s32 $_size_execute0_lowered;
	s3 =	sadd.s32 s3, s5;
	[dreg:$0x0] =	wrdreg $0x0  }
0xa8: {  	s5 =	sshll.u32 s28, $0x1;
	[dreg:$0x2] =	wrdreg s3  }
0xa9: {  	[dreg:$0x3] =	wrdreg s5  }
0xaa: {  	[dreg:$0x4] =	wrdreg $0xC0  }
0xab: {  	_ =	task [dreg:s7], $0x5FFFF  }
0xac: {  	[dreg:$0x1] =	wrdreg $0xFFFFFFFF  }
0xad: {  	[dreg:$0x0] =	wrdreg $0x60  }
0xae: {  	[dreg:$0x2] =	wrdreg s24  }
0xaf: {  	[dreg:$0x3] =	wrdreg s2  }
0xb0: {  	[dreg:$0x4] =	wrdreg $0x9  }
0xb1: {  	_ =	task.clear_ibuf [dreg:s7], $0x5FFFF;
	_ =	strace $0x90000046  }
0xb2: {  	s29 =	simm.s32 $0x9;
	_ =	strace $0x80000048  }
0xb3: {  	_ =	swait.ge [sflag:s29], $0x1  }
0xb4: {  	[sflag:s29] =	ssyncadd.s32 $0xFFFFFFFF  }
0xb5: {  	_ =	strace $0x90000048  }
0xb6: {  	_ =	sfence  }
0xb7: {  	s30 =	sld [smem:$0x0];
	_ =	sdelay $0x2  }
0xb8: {  	s31 =	sshll.u32 s1, $0xD;
	s1 =	sshrl.u32 s1, $0x2  }
0xb9: {  	s3 =	sand.u32 $0x4000, s31;
	s1 =	sadd.s32 s1, s30  }
0xba: {  	s0 =	sor.u32 s3, s0;
	s1 =	sshll.u32 s1, $0x11  }
0xbb: {  	s0 =	sor.u32 s1, s0  }
0xbc: {  	s0 =	sadd.s32 $0x8F2B, s0  }
0xbd: {  	[sflag:s0] =	ssyncadd.remote.s32 $0x1  }
0xbe: {  	_ =	sfence.sel $0xFFFF  }
0xbf: {  	[dreg:$0x0] =	wrdreg $0xFFFFFFFF;
	(pc) =	sbr.abs _section_cstart, $3  }
0xc0: {  	[dreg:$0x1] =	wrdreg $0xFFFFFFFF  }
0xc1: {  	_ =	task.clear_ibuf [dreg:s7], $0x2FFFF;
	_ =	strace $0x9FFFFFFF  }
0xc2: {  	(tm) =	ssettm $0x7FFFFFFF  }
0xc3: {  	_ =	shalt  }
tec
execute0_lowered:
.L_overlay_start_1:
0x0: {  	(tag) =	ssettag $0x1  }
0x1: {  	s1 =	srdreg.scid  }
0x2: {  	s8 =	rddreg [dreg:$0x0];
	s0 =	stileid.u32;
	s14 =	sand.u32 $0x1, s1  }
0x3: {  	s13 =	rddreg [dreg:$0x1];
	s3 =	sshll.u32 s0, $0xC;
	s4 =	sshll.u32 s14, $0xB  }
0x4: {  	s2 =	simm.s32 $0x0;
	s1 =	rddreg [dreg:$0x2];
	s15 =	sor.u32 s4, s3  }
0x5: {  	[smem:$0x7FF] =	sst s2;
	s3 =	sshrl.u32 s15, $0x3  }
0x6: {  	_ =	strace $0x80000047;
	s4 =	sadd.s32 s13, s3;
	s3 =	simm.s32 $0x2  }
0x7: {  	[tilespmem:s2], [sflag:$0x2] =	stream.linear.gather [hbm4b:s4+s2], $0x200, $0x38;
	[tilespmem:$0x10200] =	vst v63  }
0x8: {  	_ =	swait.ge [sflag:s3], $0x200  }
0x9: {  	s6 =	simm.s32 $0x200;
	[sflag:s3] =	ssyncset.done $0x0  }
0xa: {  	s7 =	simm.s32 $0x1;
	s5 =	sadd.s32 $0x3200, s8;
	[sflag:s3] =	ssyncadd.s32 $0xFFFFFE00  }
0xb: {  	[tilespmem:s6], [sflag:$0x1] =	stream.indirect.gather [hbm4b:s5+s6], $0x80, s2, s6, $0xb8;
	[tilespmem:$0x10200] =	vst v63  }
0xc: {  	_ =	swait.ge [sflag:s7], $0x10000  }
0xd: {  	s16 =	sadd.s32 $0x103200, s8;
	s28 =	sshll.u32 s15, $0x4;
	[sflag:s7] =	ssyncset.done $0x0  }
0xe: {  	s8 =	sadd.s32 s16, s28;
	[sflag:s7] =	ssyncadd.s32 $0xFFFF0000  }
0xf: {  	[hbm4b:s8+s2] =	stream.linear.scatter [tilespmem:s6], [sflag:$0x2], $0x10000, $0x38;
	[tilespmem:$0x10200] =	vst v63  }
0x10: {  	s10 =	sor.u32 $0x200, s15;
	_ =	swait.ge [sflag:s3], $0x10000  }
0x11: {  	s9 =	sshrl.u32 s10, $0x3;
	[sflag:s3] =	ssyncset.done $0x0  }
0x12: {  	s9 =	sadd.s32 s13, s9;
	[sflag:s3] =	ssyncadd.s32 $0xFFFF0000  }
0x13: {  	[tilespmem:s2], [sflag:$0x2] =	stream.linear.gather [hbm4b:s9+s2], $0x200, $0x38;
	[tilespmem:$0x10200] =	vst v63  }
0x14: {  	_ =	swait.ge [sflag:s3], $0x200  }
0x15: {  	[sflag:s3] =	ssyncset.done $0x0  }
0x16: {  	[sflag:s3] =	ssyncadd.s32 $0xFFFFFE00  }
0x17: {  	[tilespmem:s6], [sflag:$0x1] =	stream.indirect.gather [hbm4b:s5+s6], $0x80, s2, s6, $0xb8;
	[tilespmem:$0x10200] =	vst v63  }
0x18: {  	_ =	swait.ge [sflag:s7], $0x10000  }
0x19: {  	s10 =	sshll.u32 s10, $0x4;
	[sflag:s7] =	ssyncset.done $0x0  }
0x1a: {  	s10 =	sadd.s32 s16, s10;
	[sflag:s7] =	ssyncadd.s32 $0xFFFF0000  }
0x1b: {  	[hbm4b:s10+s2] =	stream.linear.scatter [tilespmem:s6], [sflag:$0x2], $0x10000, $0x38;
	[tilespmem:$0x10200] =	vst v63  }
0x1c: {  	s12 =	sor.u32 $0x400, s15;
	_ =	swait.ge [sflag:s3], $0x10000  }
0x1d: {  	s11 =	sshrl.u32 s12, $0x3;
	[sflag:s3] =	ssyncset.done $0x0  }
0x1e: {  	s11 =	sadd.s32 s13, s11;
	[sflag:s3] =	ssyncadd.s32 $0xFFFF0000  }
0x1f: {  	[tilespmem:s2], [sflag:$0x2] =	stream.linear.gather [hbm4b:s11+s2], $0x200, $0x38;
	[tilespmem:$0x10200] =	vst v63  }
0x20: {  	_ =	swait.ge [sflag:s3], $0x200  }
0x21: {  	[sflag:s3] =	ssyncset.done $0x0  }
0x22: {  	[sflag:s3] =	ssyncadd.s32 $0xFFFFFE00  }
0x23: {  	[tilespmem:s6], [sflag:$0x1] =	stream.indirect.gather [hbm4b:s5+s6], $0x80, s2, s6, $0xb8;
	[tilespmem:$0x10200] =	vst v63  }
0x24: {  	_ =	swait.ge [sflag:s7], $0x10000  }
0x25: {  	s12 =	sshll.u32 s12, $0x4;
	[sflag:s7] =	ssyncset.done $0x0  }
0x26: {  	s12 =	sadd.s32 s16, s12;
	[sflag:s7] =	ssyncadd.s32 $0xFFFF0000  }
0x27: {  	[hbm4b:s12+s2] =	stream.linear.scatter [tilespmem:s6], [sflag:$0x2], $0x10000, $0x38;
	[tilespmem:$0x10200] =	vst v63  }
0x28: {  	s15 =	sor.u32 $0x600, s15;
	_ =	swait.ge [sflag:s3], $0x10000  }
0x29: {  	s17 =	sshrl.u32 s15, $0x3;
	[sflag:s3] =	ssyncset.done $0x0  }
0x2a: {  	s14 =	ssub.s32 $0x2, s14;
	s13 =	sadd.s32 s13, s17;
	[sflag:s3] =	ssyncadd.s32 $0xFFFF0000  }
0x2b: {  	[tilespmem:s2], [sflag:$0x2] =	stream.linear.gather [hbm4b:s13+s2], $0x200, $0x38;
	[tilespmem:$0x10200] =	vst v63  }
0x2c: {  	s29 =	sshrl.u32 s14, $0x1;
	_ =	swait.ge [sflag:s3], $0x200  }
0x2d: {  	s17 =	ssub.s32 s14, s29;
	[sflag:s3] =	ssyncset.done $0x0  }
0x2e: {  	s31 =	smax.u32 s17, $0x1;
	[sflag:s3] =	ssyncadd.s32 $0xFFFFFE00  }
0x2f: {  	[tilespmem:s6], [sflag:$0x1] =	stream.indirect.gather [hbm4b:s5+s6], $0x80, s2, s6, $0xb8;
	[tilespmem:$0x10200] =	vst v63  }
0x30: {  	p0 =	sne.s32 s31, $0x1;
	_ =	swait.ge [sflag:s7], $0x10000  }
.Ltmp0:
0x31: {  	s30 =	sshll.u32 s15, $0x4;
	[sflag:s7] =	ssyncset.done $0x0;
	(pc) =	sbr.rel @!p0 .LBB2_2-.Ltmp0, $4  }
0x32: {  	s14 =	sadd.s32 s16, s30;
	[sflag:s7] =	ssyncadd.s32 $0xFFFF0000  }
0x33: {  	[hbm4b:s14+s2] =	stream.linear.scatter [tilespmem:s6], [sflag:$0x2], $0x10000, $0x38;
	[tilespmem:$0x10200] =	vst v63  }
0x34: {  	_ =	swait.ge [sflag:s3], $0x10000  }
0x35: {  	s15 =	sadd.s32 $0xFFFFFFFF, s31;
	[sflag:s3] =	ssyncset.done $0x0  }
.LBB2_1:
0x36: {  	p0 =	sne.s32 s15, $0x1;
	s15 =	sadd.s32 $0xFFFFFFFF, s15;
	[sflag:s3] =	ssyncadd.s32 $0xFFFF0000  }
0x37: {  	[tilespmem:s2], [sflag:$0x2] =	stream.linear.gather [hbm4b:s4+s2], $0x200, $0x38;
	[tilespmem:$0x10200] =	vst v63  }
0x38: {  	_ =	swait.ge [sflag:s3], $0x200  }
0x39: {  	[sflag:s3] =	ssyncset.done $0x0  }
0x3a: {  	[sflag:s3] =	ssyncadd.s32 $0xFFFFFE00  }
0x3b: {  	[tilespmem:s6], [sflag:$0x1] =	stream.indirect.gather [hbm4b:s5+s6], $0x80, s2, s6, $0xb8;
	[tilespmem:$0x10200] =	vst v63  }
0x3c: {  	_ =	swait.ge [sflag:s7], $0x10000  }
0x3d: {  	[sflag:s7] =	ssyncset.done $0x0  }
0x3e: {  	[sflag:s7] =	ssyncadd.s32 $0xFFFF0000  }
0x3f: {  	[hbm4b:s8+s2] =	stream.linear.scatter [tilespmem:s6], [sflag:$0x2], $0x10000, $0x38;
	[tilespmem:$0x10200] =	vst v63  }
0x40: {  	_ =	swait.ge [sflag:s3], $0x10000  }
0x41: {  	[sflag:s3] =	ssyncset.done $0x0  }
0x42: {  	[sflag:s3] =	ssyncadd.s32 $0xFFFF0000  }
0x43: {  	[tilespmem:s2], [sflag:$0x2] =	stream.linear.gather [hbm4b:s9+s2], $0x200, $0x38;
	[tilespmem:$0x10200] =	vst v63  }
0x44: {  	_ =	swait.ge [sflag:s3], $0x200  }
0x45: {  	[sflag:s3] =	ssyncset.done $0x0  }
0x46: {  	[sflag:s3] =	ssyncadd.s32 $0xFFFFFE00  }
0x47: {  	[tilespmem:s6], [sflag:$0x1] =	stream.indirect.gather [hbm4b:s5+s6], $0x80, s2, s6, $0xb8;
	[tilespmem:$0x10200] =	vst v63  }
0x48: {  	_ =	swait.ge [sflag:s7], $0x10000  }
0x49: {  	[sflag:s7] =	ssyncset.done $0x0  }
0x4a: {  	[sflag:s7] =	ssyncadd.s32 $0xFFFF0000  }
0x4b: {  	[hbm4b:s10+s2] =	stream.linear.scatter [tilespmem:s6], [sflag:$0x2], $0x10000, $0x38;
	[tilespmem:$0x10200] =	vst v63  }
0x4c: {  	_ =	swait.ge [sflag:s3], $0x10000  }
0x4d: {  	[sflag:s3] =	ssyncset.done $0x0  }
0x4e: {  	[sflag:s3] =	ssyncadd.s32 $0xFFFF0000  }
0x4f: {  	[tilespmem:s2], [sflag:$0x2] =	stream.linear.gather [hbm4b:s11+s2], $0x200, $0x38;
	[tilespmem:$0x10200] =	vst v63  }
0x50: {  	_ =	swait.ge [sflag:s3], $0x200  }
0x51: {  	[sflag:s3] =	ssyncset.done $0x0  }
0x52: {  	[sflag:s3] =	ssyncadd.s32 $0xFFFFFE00  }
0x53: {  	[tilespmem:s6], [sflag:$0x1] =	stream.indirect.gather [hbm4b:s5+s6], $0x80, s2, s6, $0xb8;
	[tilespmem:$0x10200] =	vst v63  }
0x54: {  	_ =	swait.ge [sflag:s7], $0x10000  }
0x55: {  	[sflag:s7] =	ssyncset.done $0x0  }
0x56: {  	[sflag:s7] =	ssyncadd.s32 $0xFFFF0000  }
0x57: {  	[hbm4b:s12+s2] =	stream.linear.scatter [tilespmem:s6], [sflag:$0x2], $0x10000, $0x38;
	[tilespmem:$0x10200] =	vst v63  }
0x58: {  	_ =	swait.ge [sflag:s3], $0x10000  }
0x59: {  	[sflag:s3] =	ssyncset.done $0x0  }
0x5a: {  	[sflag:s3] =	ssyncadd.s32 $0xFFFF0000  }
0x5b: {  	[tilespmem:s2], [sflag:$0x2] =	stream.linear.gather [hbm4b:s13+s2], $0x200, $0x38;
	[tilespmem:$0x10200] =	vst v63  }
0x5c: {  	_ =	swait.ge [sflag:s3], $0x200  }
0x5d: {  	[sflag:s3] =	ssyncset.done $0x0  }
0x5e: {  	[sflag:s3] =	ssyncadd.s32 $0xFFFFFE00  }
0x5f: {  	[tilespmem:s6], [sflag:$0x1] =	stream.indirect.gather [hbm4b:s5+s6], $0x80, s2, s6, $0xb8;
	[tilespmem:$0x10200] =	vst v63  }
0x60: {  	_ =	swait.ge [sflag:s7], $0x10000  }
.Ltmp1:
0x61: {  	[sflag:s7] =	ssyncset.done $0x0;
	(pc) =	sbr.rel @p0 .LBB2_1-.Ltmp1, $4  }
0x62: {  	[sflag:s7] =	ssyncadd.s32 $0xFFFF0000  }
0x63: {  	[hbm4b:s14+s2] =	stream.linear.scatter [tilespmem:s6], [sflag:$0x2], $0x10000, $0x38;
	[tilespmem:$0x10200] =	vst v63  }
0x64: {  	_ =	swait.ge [sflag:s3], $0x10000  }
0x65: {  	[sflag:s3] =	ssyncset.done $0x0  }
.LBB2_2:
0x66: {  	[sflag:s3] =	ssyncadd.s32 $0xFFFF0000  }
0x67: {  	_ =	sfence.sel $0x180000  }
0x68: {  	[bflag:$0x0] =	sbarrier.arrive $0xFFFF  }
0x69: {  	p0 =	sne.s32 s0, $0x0;
	_ =	strace $0x90000047  }
0x6a: {  	s0 =	sadd.s32 @!p0 $0x100000, s1;
	[bflag:$0x2] =	sbarrier.arrive $0xFFFF  }
0x6b: {  	[sflag:s0] =	ssyncadd.tile.s32 @!p0 $0x1;
	_ =	shalt  }
.Lfunc_end2:
_tile_overlayer_lowered:
.L_overlay_start_2:
0x6c: {  	(tag) =	ssettag $0x2  }
0x6d: {  	s0 =	rddreg [dreg:$0x0];
	s2 =	stileid.u32  }
0x6e: {  	s1 =	rddreg [dreg:$0x1];
	p0 =	sne.s32 s2, $0x0  }
0x6f: {  	s3 =	rddreg [dreg:$0x2];
	[bflag:$0x3] =	sbarrier.arrive $0xFFFF;
	s2 =	simm.s32 @!p0 $0x1C02  }
0x70: {  	[timem:s3], [sflag:s2] =	dma.local @!p0 [hbm:s0], s1  }
0x71: {  	s0 =	simm.s32 @!p0 $0x2  }
0x72: {  	_ =	swait.ge @!p0 [sflag:s0], s1  }
0x73: {  	s1 =	ssub.s32 @!p0 $0x0, s1;
	[sflag:s0] =	ssyncset.done @!p0 $0x0  }
0x74: {  	[sflag:s0] =	ssyncadd.s32 @!p0 s1  }
0x75: {  	[bflag:$0x3] =	sbarrier.arrive $0xFFFF  }
0x76: {  	_ =	shalt  }

</sc_bundles>
